<compile_context>
chip_gen: v7x
topology: tpu7x:2x2x1
jax: 0.10.2.dev20260603
libtpu: 0.0.44.dev20260713+nightly
codegen_flags: <defaults>
</compile_context>

<pallas_src>
import functools

import jax
import jax.numpy as jnp
from jax.experimental import pallas as pl
from jax.experimental.pallas import tpu as pltpu
from jax.experimental.pallas import tpu_sc as plsc

E = 16
TOP_K = 2
H = 1024
FF = 1024
ALPHA = 1.702
LIMIT = 7.0
NEG = -1e30


def _logits_kernel(x_ref, rw_ref, rb_ref, o_ref):
    o_ref[...] = jax.lax.dot_general(
        x_ref[...], rw_ref[...], (((1,), (1,)), ((), ())),
        preferred_element_type=jnp.float32) + rb_ref[...]


def _sc_shuf(vec, idx):
    dn = jax.lax.GatherDimensionNumbers(
        offset_dims=(), collapsed_slice_dims=(0,), start_index_map=(0,))
    return jax.lax.gather(
        vec, idx[:, None], dn, (1,),
        mode=jax.lax.GatherScatterMode.PROMISE_IN_BOUNDS)


def _sc_allmax(vec, iota):
    for k in (8, 4, 2, 1):
        vec = jnp.maximum(vec, _sc_shuf(vec, jnp.bitwise_xor(iota, k)))
    return vec


def _sc_allmin_i32(vec, iota):
    for k in (8, 4, 2, 1):
        vec = jnp.minimum(vec, _sc_shuf(vec, jnp.bitwise_xor(iota, k)))
    return vec


def _sc_router(logits_hbm, o_hbm, tmp_ref, sem):
    c = jax.lax.axis_index("c")
    s = jax.lax.axis_index("s")
    tec = c * 16 + s
    base = tec * 4
    pltpu.async_copy(logits_hbm.at[pl.ds(base, 4)], tmp_ref, sem).wait()
    iota = jax.lax.iota(jnp.int32, 16)
    for r in range(4):
        v = tmp_ref[r]
        m1 = _sc_allmax(v, iota)
        i1 = _sc_allmin_i32(jnp.where(v == m1, iota, E), iota)
        mask1 = iota == i1
        rest = jnp.where(mask1, NEG, v)
        m2 = _sc_allmax(rest, iota)
        i2 = _sc_allmin_i32(jnp.where(rest == m2, iota, E), iota)
        mask2 = iota == i2
        p1 = 1.0 / (1.0 + jnp.exp(m2 - m1))
        p2 = 1.0 - p1
        zero = jnp.zeros((16,), jnp.float32)
        tmp_ref[r] = (jnp.where(mask1, p1, zero)
                      + jnp.where(mask2, p2, zero))
    pltpu.async_copy(tmp_ref, o_hbm.at[pl.ds(base, 4)], sem).wait()


def _moe_kernel(x_ref, sc_ref, gwa_ref, gwb_ref, uwa_ref, uwb_ref,
                dwa_ref, dwb_ref, gb_ref, ub_ref, db_ref, out_ref):
    e = pl.program_id(0)
    xb = x_ref[...].astype(jnp.bfloat16)
    s = sc_ref[...]
    cols = jax.lax.broadcasted_iota(jnp.int32, s.shape, 1)
    contrib = None
    for i, (gw_ref, uw_ref, dw_ref) in enumerate(
            ((gwa_ref, uwa_ref, dwa_ref), (gwb_ref, uwb_ref, dwb_ref))):
        gate = jax.lax.dot_general(
            xb, gw_ref[0].astype(jnp.bfloat16), (((1,), (1,)), ((), ())),
            preferred_element_type=jnp.float32) + gb_ref[i]
        up = jax.lax.dot_general(
            xb, uw_ref[0].astype(jnp.bfloat16), (((1,), (1,)), ((), ())),
            preferred_element_type=jnp.float32) + ub_ref[i]
        gate = jnp.minimum(gate, LIMIT)
        up = jnp.clip(up, -LIMIT, LIMIT)
        glu = gate * jax.nn.sigmoid(gate * ALPHA)
        act = (up + 1.0) * glu
        y = jax.lax.dot_general(
            act.astype(jnp.bfloat16), dw_ref[0].astype(jnp.bfloat16),
            (((1,), (1,)), ((), ())),
            preferred_element_type=jnp.float32) + db_ref[i]
        w = jnp.sum(jnp.where(cols == 2 * e + i, s, 0.0),
                    axis=1, keepdims=True)
        contrib = w * y if contrib is None else contrib + w * y

    @pl.when(e == 0)
    def _init():
        out_ref[...] = contrib

    @pl.when(e != 0)
    def _acc():
        out_ref[...] += contrib


@functools.partial(jax.jit, static_argnums=())
def kernel(hidden_states, router_w, router_b, gate_w, gate_b, up_w, up_b,
           down_w, down_b):
    Bn, Tn, Hn = hidden_states.shape
    x = hidden_states.reshape(-1, Hn)
    Ttok = x.shape[0]
    rb2 = router_b.reshape(1, E)
    gb3 = gate_b.reshape(E, 1, FF)
    ub3 = up_b.reshape(E, 1, FF)
    db3 = down_b.reshape(E, 1, H)

    logits = pl.pallas_call(
        _logits_kernel,
        out_shape=jax.ShapeDtypeStruct((Ttok, E), jnp.float32),
    )(x, router_w, rb2)

    sc_fn = pl.kernel(
        _sc_router,
        out_type=jax.ShapeDtypeStruct((Ttok, E), jnp.float32),
        mesh=plsc.VectorSubcoreMesh(core_axis_name="c",
                                    subcore_axis_name="s"),
        scratch_types=[pltpu.VMEM((4, E), jnp.float32),
                       pltpu.SemaphoreType.DMA],
    )
    scores = sc_fn(logits)

    wspec_a = pl.BlockSpec((1, FF, H), lambda e: (2 * e, 0, 0))
    wspec_b = pl.BlockSpec((1, FF, H), lambda e: (2 * e + 1, 0, 0))

    (out,) = pl.pallas_call(
        _moe_kernel,
        grid=(E // 2,),
        in_specs=[
            pl.BlockSpec((Ttok, H), lambda e: (0, 0)),
            pl.BlockSpec((Ttok, E), lambda e: (0, 0)),
            wspec_a,
            wspec_b,
            wspec_a,
            wspec_b,
            wspec_a,
            wspec_b,
            pl.BlockSpec((2, 1, FF), lambda e: (e, 0, 0)),
            pl.BlockSpec((2, 1, FF), lambda e: (e, 0, 0)),
            pl.BlockSpec((2, 1, H), lambda e: (e, 0, 0)),
        ],
        out_specs=[
            pl.BlockSpec((Ttok, H), lambda e: (0, 0)),
        ],
        out_shape=[
            jax.ShapeDtypeStruct((Ttok, H), jnp.float32),
        ],
        compiler_params=pltpu.CompilerParams(
            dimension_semantics=("arbitrary",),
            vmem_limit_bytes=100 * 1024 * 1024,
        ),
    )(x, scores, gate_w, gate_w, up_w, up_w, down_w, down_w,
      gb3, ub3, db3)

    return out.reshape(Bn, Tn, Hn), scores

# --- scband reference (transcript-rebuilt; emitter-appended) ---
"""Pipeline reference for scband-sequential-gptossmo-ev1-16604343566460 (READ-ONLY COPY).

The authoritative reference and input builder live on the scoring server;
editing this copy changes nothing except your own understanding.
"""

import jax, jax.numpy as jnp
import numpy as np

E = 16
TOP_K = 2
H = 1024
FF = 1024
B = 32
T = 4
ALPHA = 1.702
LIMIT = 7.0


def _expert(x, gw, gb, uw, ub, dw, db):
    gate = x @ gw.T + gb
    up = x @ uw.T + ub
    gate = jnp.minimum(gate, LIMIT)
    up = jnp.clip(up, -LIMIT, LIMIT)
    glu = gate * jax.nn.sigmoid(gate * ALPHA)
    act = (up + 1.0) * glu
    return act @ dw.T + db


def setup_inputs(seed: int = 0) -> dict:
    key = jax.random.key(seed)
    ks = jax.random.split(key, 6)
    return {
        "hidden_states": jax.random.normal(ks[0], (B, T, H), dtype=jnp.float32),
        "router_w": jax.random.normal(ks[1], (E, H), dtype=jnp.float32) * 0.02,
        "router_b": jnp.zeros((E,), dtype=jnp.float32),
        "gate_w": jax.random.normal(ks[2], (E, FF, H), dtype=jnp.float32) * 0.02,
        "gate_b": jnp.zeros((E, FF), dtype=jnp.float32),
        "up_w": jax.random.normal(ks[3], (E, FF, H), dtype=jnp.float32) * 0.02,
        "up_b": jnp.zeros((E, FF), dtype=jnp.float32),
        "down_w": jax.random.normal(ks[4], (E, H, FF), dtype=jnp.float32) * 0.02,
        "down_b": jnp.zeros((E, H), dtype=jnp.float32),
    }


def reference(hidden_states, router_w, router_b, gate_w, gate_b, up_w, up_b, down_w, down_b):
    Bn, Tn, Hn = hidden_states.shape
    x = hidden_states.reshape(-1, Hn)
    Ttok = x.shape[0]
    # Router: linear -> top_k -> softmax over selected -> scatter into full score matrix
    logits = x @ router_w.T + router_b
    top_vals, top_idx = jax.lax.top_k(logits, TOP_K)
    probs = jax.nn.softmax(top_vals, axis=-1)
    scores = jnp.zeros((Ttok, E), dtype=x.dtype).at[jnp.arange(Ttok)[:, None], top_idx].set(probs)
    # Expert combine: scores is zero for unselected experts, so weighting by scores
    # reproduces the masked top-k dispatch exactly.
    out = jnp.zeros_like(x)
    for e in range(E):
        y = _expert(x, gate_w[e], gate_b[e], up_w[e], up_b[e], down_w[e], down_b[e])
        out = out + scores[:, e:e + 1] * y
    out = out.reshape(Bn, Tn, Hn)
    return out, scores

if __name__ == "__main__":
    import jax
    _d = setup_inputs()
    print(jax.jit(kernel)(*tuple(_d.values())))

</pallas_src>

<mosaic_0001>
#map = affine_map<(d0, d1) -> (0, 0)>
module attributes {stable_mosaic.version = 14 : i64} {
  func.func @_sc_router(%arg0: i32, %arg1: i32, %arg2: memref<128x16xf32, #tpu.memory_space<hbm>>, %arg3: memref<128x16xf32, #tpu.memory_space<hbm>>, %arg4: memref<4x16xf32, #tpu.memory_space<vmem>>, %arg5: memref<!tpu.dma_semaphore, #tpu.memory_space<semaphore_mem>>) attributes {dimension_semantics = [#tpu.dimension_semantics<core_parallel>, #tpu.dimension_semantics<subcore_parallel>], iteration_bounds = array<i64: 2, 16>, scalar_prefetch = 0 : i64, scratch_operands = 2 : i64, tpu.core_type = #tpu.core_type<sc_vector_subcore>, window_params = [{transform_indices = #map}, {transform_indices = #map}]} {
    %mul3A = arith.constant 16 : i32
    %mul3A_0 = arith.muli %arg0, %mul3A : i32
    %add3A = arith.addi %mul3A_0, %arg1 : i32
    %mul3A_1 = arith.constant 4 : i32
    %mul3A_2 = arith.muli %add3A, %mul3A_1 : i32
    %dma_start3A = arith.constant 0 : i32
    %dma_start3A_3 = tpu.memref_slice %arg2[%mul3A_2, %dma_start3A] : memref<128x16xf32, #tpu.memory_space<hbm>> -> memref<4x16xf32, #tpu.memory_space<hbm>>
    %dma_start3A_4 = arith.constant 0 : i32
    %dma_start3A_5 = tpu.memref_slice %arg2[%mul3A_2, %dma_start3A_4] : memref<128x16xf32, #tpu.memory_space<hbm>> -> memref<4x16xf32, #tpu.memory_space<hbm>>
    tpu.enqueue_dma source(%dma_start3A_5 : memref<4x16xf32, #tpu.memory_space<hbm>>) target(%arg4 : memref<4x16xf32, #tpu.memory_space<vmem>>) target_semaphore(%arg5 : memref<!tpu.dma_semaphore, #tpu.memory_space<semaphore_mem>>)
    %dma_wait3A = arith.constant 0 : i32
    %dma_wait3A_6 = tpu.memref_slice %arg2[%mul3A_2, %dma_wait3A] : memref<128x16xf32, #tpu.memory_space<hbm>> -> memref<4x16xf32, #tpu.memory_space<hbm>>
    %dma_wait3A_7 = arith.constant 0 : i32
    %dma_wait3A_8 = tpu.memref_slice %arg2[%mul3A_2, %dma_wait3A_7] : memref<128x16xf32, #tpu.memory_space<hbm>> -> memref<4x16xf32, #tpu.memory_space<hbm>>
    tpu.wait_dma2 semaphore(%arg5 : memref<!tpu.dma_semaphore, #tpu.memory_space<semaphore_mem>>) src(%dma_wait3A_8 : memref<4x16xf32, #tpu.memory_space<hbm>>) dst(%arg4 : memref<4x16xf32, #tpu.memory_space<vmem>>)
    %iota3A = tpu.iota {dimensions = array<i32: 0>} : vector<16xi32>
    %get3A = arith.constant 0 : i32
    %get3A_9 = arith.index_cast %get3A : i32 to index
    %get3A_10 = arith.constant 0 : index
    %get3A_11 = tpu.vector_load %arg4[%get3A_9, %get3A_10] {strides = array<i32>} : memref<4x16xf32, #tpu.memory_space<vmem>>, vector<1x16xf32>,
    %get3A_12 = vector.shape_cast %get3A_11 : vector<1x16xf32> to vector<16xf32>
    %xor3A = arith.constant 8 : i32
    %xor3A_13 = vector.broadcast %xor3A : i32 to vector<16xi32>
    %xor3A_14 = arith.xori %iota3A, %xor3A_13 : vector<16xi32>
    %broadcast_in_dim3A = vector.shape_cast %xor3A_14 : vector<16xi32> to vector<16x1xi32>
    %gather3A = vector.shape_cast %broadcast_in_dim3A : vector<16x1xi32> to vector<16xi32>
    %gather3A_15 = tpu.dynamic_gather %get3A_12[%gather3A] in [0] : vector<16xf32>, vector<16xi32> -> vector<16xf32>
    %max3A = arith.maximumf %get3A_12, %gather3A_15 : vector<16xf32>
    %xor3A_16 = arith.constant 4 : i32
    %xor3A_17 = vector.broadcast %xor3A_16 : i32 to vector<16xi32>
    %xor3A_18 = arith.xori %iota3A, %xor3A_17 : vector<16xi32>
    %broadcast_in_dim3A_19 = vector.shape_cast %xor3A_18 : vector<16xi32> to vector<16x1xi32>
    %gather3A_20 = vector.shape_cast %broadcast_in_dim3A_19 : vector<16x1xi32> to vector<16xi32>
    %gather3A_21 = tpu.dynamic_gather %max3A[%gather3A_20] in [0] : vector<16xf32>, vector<16xi32> -> vector<16xf32>
    %max3A_22 = arith.maximumf %max3A, %gather3A_21 : vector<16xf32>
    %xor3A_23 = arith.constant 2 : i32
    %xor3A_24 = vector.broadcast %xor3A_23 : i32 to vector<16xi32>
    %xor3A_25 = arith.xori %iota3A, %xor3A_24 : vector<16xi32>
    %broadcast_in_dim3A_26 = vector.shape_cast %xor3A_25 : vector<16xi32> to vector<16x1xi32>
    %gather3A_27 = vector.shape_cast %broadcast_in_dim3A_26 : vector<16x1xi32> to vector<16xi32>
    %gather3A_28 = tpu.dynamic_gather %max3A_22[%gather3A_27] in [0] : vector<16xf32>, vector<16xi32> -> vector<16xf32>
    %max3A_29 = arith.maximumf %max3A_22, %gather3A_28 : vector<16xf32>
    %xor3A_30 = arith.constant 1 : i32
    %xor3A_31 = vector.broadcast %xor3A_30 : i32 to vector<16xi32>
    %xor3A_32 = arith.xori %iota3A, %xor3A_31 : vector<16xi32>
    %broadcast_in_dim3A_33 = vector.shape_cast %xor3A_32 : vector<16xi32> to vector<16x1xi32>
    %gather3A_34 = vector.shape_cast %broadcast_in_dim3A_33 : vector<16x1xi32> to vector<16xi32>
    %gather3A_35 = tpu.dynamic_gather %max3A_29[%gather3A_34] in [0] : vector<16xf32>, vector<16xi32> -> vector<16xf32>
    %max3A_36 = arith.maximumf %max3A_29, %gather3A_35 : vector<16xf32>
    %eq3A = arith.cmpf oeq, %get3A_12, %max3A_36 : vector<16xf32>
    %jit3A = arith.constant 16 : i32
    %broadcast_in_dim3A_37 = vector.broadcast %jit3A : i32 to vector<16xi32>
    %select_n3A = arith.select %eq3A, %iota3A, %broadcast_in_dim3A_37 : vector<16xi1>, vector<16xi32>
    %xor3A_38 = arith.constant 8 : i32
    %xor3A_39 = vector.broadcast %xor3A_38 : i32 to vector<16xi32>
    %xor3A_40 = arith.xori %iota3A, %xor3A_39 : vector<16xi32>
    %broadcast_in_dim3A_41 = vector.shape_cast %xor3A_40 : vector<16xi32> to vector<16x1xi32>
    %gather3A_42 = vector.shape_cast %broadcast_in_dim3A_41 : vector<16x1xi32> to vector<16xi32>
    %gather3A_43 = tpu.dynamic_gather %select_n3A[%gather3A_42] in [0] : vector<16xi32>, vector<16xi32> -> vector<16xi32>
    %min3A = arith.minsi %select_n3A, %gather3A_43 : vector<16xi32>
    %xor3A_44 = arith.constant 4 : i32
    %xor3A_45 = vector.broadcast %xor3A_44 : i32 to vector<16xi32>
    %xor3A_46 = arith.xori %iota3A, %xor3A_45 : vector<16xi32>
    %broadcast_in_dim3A_47 = vector.shape_cast %xor3A_46 : vector<16xi32> to vector<16x1xi32>
    %gather3A_48 = vector.shape_cast %broadcast_in_dim3A_47 : vector<16x1xi32> to vector<16xi32>
    %gather3A_49 = tpu.dynamic_gather %min3A[%gather3A_48] in [0] : vector<16xi32>, vector<16xi32> -> vector<16xi32>
    %min3A_50 = arith.minsi %min3A, %gather3A_49 : vector<16xi32>
    %xor3A_51 = arith.constant 2 : i32
    %xor3A_52 = vector.broadcast %xor3A_51 : i32 to vector<16xi32>
    %xor3A_53 = arith.xori %iota3A, %xor3A_52 : vector<16xi32>
    %broadcast_in_dim3A_54 = vector.shape_cast %xor3A_53 : vector<16xi32> to vector<16x1xi32>
    %gather3A_55 = vector.shape_cast %broadcast_in_dim3A_54 : vector<16x1xi32> to vector<16xi32>
    %gather3A_56 = tpu.dynamic_gather %min3A_50[%gather3A_55] in [0] : vector<16xi32>, vector<16xi32> -> vector<16xi32>
    %min3A_57 = arith.minsi %min3A_50, %gather3A_56 : vector<16xi32>
    %xor3A_58 = arith.constant 1 : i32
    %xor3A_59 = vector.broadcast %xor3A_58 : i32 to vector<16xi32>
    %xor3A_60 = arith.xori %iota3A, %xor3A_59 : vector<16xi32>
    %broadcast_in_dim3A_61 = vector.shape_cast %xor3A_60 : vector<16xi32> to vector<16x1xi32>
    %gather3A_62 = vector.shape_cast %broadcast_in_dim3A_61 : vector<16x1xi32> to vector<16xi32>
    %gather3A_63 = tpu.dynamic_gather %min3A_57[%gather3A_62] in [0] : vector<16xi32>, vector<16xi32> -> vector<16xi32>
    %min3A_64 = arith.minsi %min3A_57, %gather3A_63 : vector<16xi32>
    %eq3A_65 = arith.cmpi eq, %iota3A, %min3A_64 : vector<16xi32>
    %jit3A_66 = arith.constant -1.000000e+30 : f32
    %broadcast_in_dim3A_67 = vector.broadcast %jit3A_66 : f32 to vector<16xf32>
    %select_n3A_68 = arith.select %eq3A_65, %broadcast_in_dim3A_67, %get3A_12 : vector<16xi1>, vector<16xf32>
    %xor3A_69 = arith.constant 8 : i32
    %xor3A_70 = vector.broadcast %xor3A_69 : i32 to vector<16xi32>
    %xor3A_71 = arith.xori %iota3A, %xor3A_70 : vector<16xi32>
    %broadcast_in_dim3A_72 = vector.shape_cast %xor3A_71 : vector<16xi32> to vector<16x1xi32>
    %gather3A_73 = vector.shape_cast %broadcast_in_dim3A_72 : vector<16x1xi32> to vector<16xi32>
    %gather3A_74 = tpu.dynamic_gather %select_n3A_68[%gather3A_73] in [0] : vector<16xf32>, vector<16xi32> -> vector<16xf32>
    %max3A_75 = arith.maximumf %select_n3A_68, %gather3A_74 : vector<16xf32>
    %xor3A_76 = arith.constant 4 : i32
    %xor3A_77 = vector.broadcast %xor3A_76 : i32 to vector<16xi32>
    %xor3A_78 = arith.xori %iota3A, %xor3A_77 : vector<16xi32>
    %broadcast_in_dim3A_79 = vector.shape_cast %xor3A_78 : vector<16xi32> to vector<16x1xi32>
    %gather3A_80 = vector.shape_cast %broadcast_in_dim3A_79 : vector<16x1xi32> to vector<16xi32>
    %gather3A_81 = tpu.dynamic_gather %max3A_75[%gather3A_80] in [0] : vector<16xf32>, vector<16xi32> -> vector<16xf32>
    %max3A_82 = arith.maximumf %max3A_75, %gather3A_81 : vector<16xf32>
    %xor3A_83 = arith.constant 2 : i32
    %xor3A_84 = vector.broadcast %xor3A_83 : i32 to vector<16xi32>
    %xor3A_85 = arith.xori %iota3A, %xor3A_84 : vector<16xi32>
    %broadcast_in_dim3A_86 = vector.shape_cast %xor3A_85 : vector<16xi32> to vector<16x1xi32>
    %gather3A_87 = vector.shape_cast %broadcast_in_dim3A_86 : vector<16x1xi32> to vector<16xi32>
    %gather3A_88 = tpu.dynamic_gather %max3A_82[%gather3A_87] in [0] : vector<16xf32>, vector<16xi32> -> vector<16xf32>
    %max3A_89 = arith.maximumf %max3A_82, %gather3A_88 : vector<16xf32>
    %xor3A_90 = arith.constant 1 : i32
    %xor3A_91 = vector.broadcast %xor3A_90 : i32 to vector<16xi32>
    %xor3A_92 = arith.xori %iota3A, %xor3A_91 : vector<16xi32>
    %broadcast_in_dim3A_93 = vector.shape_cast %xor3A_92 : vector<16xi32> to vector<16x1xi32>
    %gather3A_94 = vector.shape_cast %broadcast_in_dim3A_93 : vector<16x1xi32> to vector<16xi32>
    %gather3A_95 = tpu.dynamic_gather %max3A_89[%gather3A_94] in [0] : vector<16xf32>, vector<16xi32> -> vector<16xf32>
    %max3A_96 = arith.maximumf %max3A_89, %gather3A_95 : vector<16xf32>
    %eq3A_97 = arith.cmpf oeq, %select_n3A_68, %max3A_96 : vector<16xf32>
    %jit3A_98 = arith.constant 16 : i32
    %broadcast_in_dim3A_99 = vector.broadcast %jit3A_98 : i32 to vector<16xi32>
    %select_n3A_100 = arith.select %eq3A_97, %iota3A, %broadcast_in_dim3A_99 : vector<16xi1>, vector<16xi32>
    %xor3A_101 = arith.constant 8 : i32
    %xor3A_102 = vector.broadcast %xor3A_101 : i32 to vector<16xi32>
    %xor3A_103 = arith.xori %iota3A, %xor3A_102 : vector<16xi32>
    %broadcast_in_dim3A_104 = vector.shape_cast %xor3A_103 : vector<16xi32> to vector<16x1xi32>
    %gather3A_105 = vector.shape_cast %broadcast_in_dim3A_104 : vector<16x1xi32> to vector<16xi32>
    %gather3A_106 = tpu.dynamic_gather %select_n3A_100[%gather3A_105] in [0] : vector<16xi32>, vector<16xi32> -> vector<16xi32>
    %min3A_107 = arith.minsi %select_n3A_100, %gather3A_106 : vector<16xi32>
    %xor3A_108 = arith.constant 4 : i32
    %xor3A_109 = vector.broadcast %xor3A_108 : i32 to vector<16xi32>
    %xor3A_110 = arith.xori %iota3A, %xor3A_109 : vector<16xi32>
    %broadcast_in_dim3A_111 = vector.shape_cast %xor3A_110 : vector<16xi32> to vector<16x1xi32>
    %gather3A_112 = vector.shape_cast %broadcast_in_dim3A_111 : vector<16x1xi32> to vector<16xi32>
    %gather3A_113 = tpu.dynamic_gather %min3A_107[%gather3A_112] in [0] : vector<16xi32>, vector<16xi32> -> vector<16xi32>
    %min3A_114 = arith.minsi %min3A_107, %gather3A_113 : vector<16xi32>
    %xor3A_115 = arith.constant 2 : i32
    %xor3A_116 = vector.broadcast %xor3A_115 : i32 to vector<16xi32>
    %xor3A_117 = arith.xori %iota3A, %xor3A_116 : vector<16xi32>
    %broadcast_in_dim3A_118 = vector.shape_cast %xor3A_117 : vector<16xi32> to vector<16x1xi32>
    %gather3A_119 = vector.shape_cast %broadcast_in_dim3A_118 : vector<16x1xi32> to vector<16xi32>
    %gather3A_120 = tpu.dynamic_gather %min3A_114[%gather3A_119] in [0] : vector<16xi32>, vector<16xi32> -> vector<16xi32>
    %min3A_121 = arith.minsi %min3A_114, %gather3A_120 : vector<16xi32>
    %xor3A_122 = arith.constant 1 : i32
    %xor3A_123 = vector.broadcast %xor3A_122 : i32 to vector<16xi32>
    %xor3A_124 = arith.xori %iota3A, %xor3A_123 : vector<16xi32>
    %broadcast_in_dim3A_125 = vector.shape_cast %xor3A_124 : vector<16xi32> to vector<16x1xi32>
    %gather3A_126 = vector.shape_cast %broadcast_in_dim3A_125 : vector<16x1xi32> to vector<16xi32>
    %gather3A_127 = tpu.dynamic_gather %min3A_121[%gather3A_126] in [0] : vector<16xi32>, vector<16xi32> -> vector<16xi32>
    %min3A_128 = arith.minsi %min3A_121, %gather3A_127 : vector<16xi32>
    %eq3A_129 = arith.cmpi eq, %iota3A, %min3A_128 : vector<16xi32>
    %sub3A = arith.subf %max3A_96, %max3A_36 : vector<16xf32>
    %exp3A = math.exp %sub3A : vector<16xf32>
    %add3A_130 = arith.constant 1.000000e+00 : f32
    %add3A_131 = vector.broadcast %add3A_130 : f32 to vector<16xf32>
    %add3A_132 = arith.addf %add3A_131, %exp3A : vector<16xf32>
    %div3A = arith.constant 1.000000e+00 : f32
    %div3A_133 = vector.broadcast %div3A : f32 to vector<16xf32>
    %div3A_134 = arith.divf %div3A_133, %add3A_132 : vector<16xf32>
    %sub3A_135 = arith.constant 1.000000e+00 : f32
    %sub3A_136 = vector.broadcast %sub3A_135 : f32 to vector<16xf32>
    %sub3A_137 = arith.subf %sub3A_136, %div3A_134 : vector<16xf32>
    %broadcast_in_dim3A_138 = arith.constant 0.000000e+00 : f32
    %broadcast_in_dim3A_139 = vector.broadcast %broadcast_in_dim3A_138 : f32 to vector<16xf32>
    %select_n3A_140 = arith.select %eq3A_65, %div3A_134, %broadcast_in_dim3A_139 : vector<16xi1>, vector<16xf32>
    %select_n3A_141 = arith.select %eq3A_129, %sub3A_137, %broadcast_in_dim3A_139 : vector<16xi1>, vector<16xf32>
    %add3A_142 = arith.addf %select_n3A_140, %select_n3A_141 : vector<16xf32>
    %swap3A = arith.constant 0 : i32
    %swap3A_143 = arith.index_cast %swap3A : i32 to index
    %swap3A_144 = arith.constant 0 : index
    %swap3A_145 = tpu.vector_load %arg4[%swap3A_143, %swap3A_144] {strides = array<i32>} : memref<4x16xf32, #tpu.memory_space<vmem>>, vector<1x16xf32>,
    %swap3A_146 = vector.shape_cast %swap3A_145 : vector<1x16xf32> to vector<16xf32>
    %swap3A_147 = vector.shape_cast %add3A_142 : vector<16xf32> to vector<1x16xf32>
    tpu.vector_store %arg4[%swap3A_143, %swap3A_144], %swap3A_147 {strides = array<i32>} : memref<4x16xf32, #tpu.memory_space<vmem>>, vector<1x16xf32>,
    %get3A_148 = arith.constant 1 : i32
    %get3A_149 = arith.index_cast %get3A_148 : i32 to index
    %get3A_150 = arith.constant 0 : index
    %get3A_151 = tpu.vector_load %arg4[%get3A_149, %get3A_150] {strides = array<i32>} : memref<4x16xf32, #tpu.memory_space<vmem>>, vector<1x16xf32>,
    %get3A_152 = vector.shape_cast %get3A_151 : vector<1x16xf32> to vector<16xf32>
    %xor3A_153 = arith.constant 8 : i32
    %xor3A_154 = vector.broadcast %xor3A_153 : i32 to vector<16xi32>
    %xor3A_155 = arith.xori %iota3A, %xor3A_154 : vector<16xi32>
    %broadcast_in_dim3A_156 = vector.shape_cast %xor3A_155 : vector<16xi32> to vector<16x1xi32>
    %gather3A_157 = vector.shape_cast %broadcast_in_dim3A_156 : vector<16x1xi32> to vector<16xi32>
    %gather3A_158 = tpu.dynamic_gather %get3A_152[%gather3A_157] in [0] : vector<16xf32>, vector<16xi32> -> vector<16xf32>
    %max3A_159 = arith.maximumf %get3A_152, %gather3A_158 : vector<16xf32>
    %xor3A_160 = arith.constant 4 : i32
    %xor3A_161 = vector.broadcast %xor3A_160 : i32 to vector<16xi32>
    %xor3A_162 = arith.xori %iota3A, %xor3A_161 : vector<16xi32>
    %broadcast_in_dim3A_163 = vector.shape_cast %xor3A_162 : vector<16xi32> to vector<16x1xi32>
    %gather3A_164 = vector.shape_cast %broadcast_in_dim3A_163 : vector<16x1xi32> to vector<16xi32>
    %gather3A_165 = tpu.dynamic_gather %max3A_159[%gather3A_164] in [0] : vector<16xf32>, vector<16xi32> -> vector<16xf32>
    %max3A_166 = arith.maximumf %max3A_159, %gather3A_165 : vector<16xf32>
    %xor3A_167 = arith.constant 2 : i32
    %xor3A_168 = vector.broadcast %xor3A_167 : i32 to vector<16xi32>
    %xor3A_169 = arith.xori %iota3A, %xor3A_168 : vector<16xi32>
    %broadcast_in_dim3A_170 = vector.shape_cast %xor3A_169 : vector<16xi32> to vector<16x1xi32>
    %gather3A_171 = vector.shape_cast %broadcast_in_dim3A_170 : vector<16x1xi32> to vector<16xi32>
    %gather3A_172 = tpu.dynamic_gather %max3A_166[%gather3A_171] in [0] : vector<16xf32>, vector<16xi32> -> vector<16xf32>
    %max3A_173 = arith.maximumf %max3A_166, %gather3A_172 : vector<16xf32>
    %xor3A_174 = arith.constant 1 : i32
    %xor3A_175 = vector.broadcast %xor3A_174 : i32 to vector<16xi32>
    %xor3A_176 = arith.xori %iota3A, %xor3A_175 : vector<16xi32>
    %broadcast_in_dim3A_177 = vector.shape_cast %xor3A_176 : vector<16xi32> to vector<16x1xi32>
    %gather3A_178 = vector.shape_cast %broadcast_in_dim3A_177 : vector<16x1xi32> to vector<16xi32>
    %gather3A_179 = tpu.dynamic_gather %max3A_173[%gather3A_178] in [0] : vector<16xf32>, vector<16xi32> -> vector<16xf32>
    %max3A_180 = arith.maximumf %max3A_173, %gather3A_179 : vector<16xf32>
    %eq3A_181 = arith.cmpf oeq, %get3A_152, %max3A_180 : vector<16xf32>
    %jit3A_182 = arith.constant 16 : i32
    %broadcast_in_dim3A_183 = vector.broadcast %jit3A_182 : i32 to vector<16xi32>
    %select_n3A_184 = arith.select %eq3A_181, %iota3A, %broadcast_in_dim3A_183 : vector<16xi1>, vector<16xi32>
    %xor3A_185 = arith.constant 8 : i32
    %xor3A_186 = vector.broadcast %xor3A_185 : i32 to vector<16xi32>
    %xor3A_187 = arith.xori %iota3A, %xor3A_186 : vector<16xi32>
    %broadcast_in_dim3A_188 = vector.shape_cast %xor3A_187 : vector<16xi32> to vector<16x1xi32>
    %gather3A_189 = vector.shape_cast %broadcast_in_dim3A_188 : vector<16x1xi32> to vector<16xi32>
    %gather3A_190 = tpu.dynamic_gather %select_n3A_184[%gather3A_189] in [0] : vector<16xi32>, vector<16xi32> -> vector<16xi32>
    %min3A_191 = arith.minsi %select_n3A_184, %gather3A_190 : vector<16xi32>
    %xor3A_192 = arith.constant 4 : i32
    %xor3A_193 = vector.broadcast %xor3A_192 : i32 to vector<16xi32>
    %xor3A_194 = arith.xori %iota3A, %xor3A_193 : vector<16xi32>
    %broadcast_in_dim3A_195 = vector.shape_cast %xor3A_194 : vector<16xi32> to vector<16x1xi32>
    %gather3A_196 = vector.shape_cast %broadcast_in_dim3A_195 : vector<16x1xi32> to vector<16xi32>
    %gather3A_197 = tpu.dynamic_gather %min3A_191[%gather3A_196] in [0] : vector<16xi32>, vector<16xi32> -> vector<16xi32>
    %min3A_198 = arith.minsi %min3A_191, %gather3A_197 : vector<16xi32>
    %xor3A_199 = arith.constant 2 : i32
    %xor3A_200 = vector.broadcast %xor3A_199 : i32 to vector<16xi32>
    %xor3A_201 = arith.xori %iota3A, %xor3A_200 : vector<16xi32>
    %broadcast_in_dim3A_202 = vector.shape_cast %xor3A_201 : vector<16xi32> to vector<16x1xi32>
    %gather3A_203 = vector.shape_cast %broadcast_in_dim3A_202 : vector<16x1xi32> to vector<16xi32>
    %gather3A_204 = tpu.dynamic_gather %min3A_198[%gather3A_203] in [0] : vector<16xi32>, vector<16xi32> -> vector<16xi32>
    %min3A_205 = arith.minsi %min3A_198, %gather3A_204 : vector<16xi32>
    %xor3A_206 = arith.constant 1 : i32
    %xor3A_207 = vector.broadcast %xor3A_206 : i32 to vector<16xi32>
    %xor3A_208 = arith.xori %iota3A, %xor3A_207 : vector<16xi32>
    %broadcast_in_dim3A_209 = vector.shape_cast %xor3A_208 : vector<16xi32> to vector<16x1xi32>
    %gather3A_210 = vector.shape_cast %broadcast_in_dim3A_209 : vector<16x1xi32> to vector<16xi32>
    %gather3A_211 = tpu.dynamic_gather %min3A_205[%gather3A_210] in [0] : vector<16xi32>, vector<16xi32> -> vector<16xi32>
    %min3A_212 = arith.minsi %min3A_205, %gather3A_211 : vector<16xi32>
    %eq3A_213 = arith.cmpi eq, %iota3A, %min3A_212 : vector<16xi32>
    %jit3A_214 = arith.constant -1.000000e+30 : f32
    %broadcast_in_dim3A_215 = vector.broadcast %jit3A_214 : f32 to vector<16xf32>
    %select_n3A_216 = arith.select %eq3A_213, %broadcast_in_dim3A_215, %get3A_152 : vector<16xi1>, vector<16xf32>
    %xor3A_217 = arith.constant 8 : i32
    %xor3A_218 = vector.broadcast %xor3A_217 : i32 to vector<16xi32>
    %xor3A_219 = arith.xori %iota3A, %xor3A_218 : vector<16xi32>
    %broadcast_in_dim3A_220 = vector.shape_cast %xor3A_219 : vector<16xi32> to vector<16x1xi32>
    %gather3A_221 = vector.shape_cast %broadcast_in_dim3A_220 : vector<16x1xi32> to vector<16xi32>
    %gather3A_222 = tpu.dynamic_gather %select_n3A_216[%gather3A_221] in [0] : vector<16xf32>, vector<16xi32> -> vector<16xf32>
    %max3A_223 = arith.maximumf %select_n3A_216, %gather3A_222 : vector<16xf32>
    %xor3A_224 = arith.constant 4 : i32
    %xor3A_225 = vector.broadcast %xor3A_224 : i32 to vector<16xi32>
    %xor3A_226 = arith.xori %iota3A, %xor3A_225 : vector<16xi32>
    %broadcast_in_dim3A_227 = vector.shape_cast %xor3A_226 : vector<16xi32> to vector<16x1xi32>
    %gather3A_228 = vector.shape_cast %broadcast_in_dim3A_227 : vector<16x1xi32> to vector<16xi32>
    %gather3A_229 = tpu.dynamic_gather %max3A_223[%gather3A_228] in [0] : vector<16xf32>, vector<16xi32> -> vector<16xf32>
    %max3A_230 = arith.maximumf %max3A_223, %gather3A_229 : vector<16xf32>
    %xor3A_231 = arith.constant 2 : i32
    %xor3A_232 = vector.broadcast %xor3A_231 : i32 to vector<16xi32>
    %xor3A_233 = arith.xori %iota3A, %xor3A_232 : vector<16xi32>
    %broadcast_in_dim3A_234 = vector.shape_cast %xor3A_233 : vector<16xi32> to vector<16x1xi32>
    %gather3A_235 = vector.shape_cast %broadcast_in_dim3A_234 : vector<16x1xi32> to vector<16xi32>
    %gather3A_236 = tpu.dynamic_gather %max3A_230[%gather3A_235] in [0] : vector<16xf32>, vector<16xi32> -> vector<16xf32>
    %max3A_237 = arith.maximumf %max3A_230, %gather3A_236 : vector<16xf32>
    %xor3A_238 = arith.constant 1 : i32
    %xor3A_239 = vector.broadcast %xor3A_238 : i32 to vector<16xi32>
    %xor3A_240 = arith.xori %iota3A, %xor3A_239 : vector<16xi32>
    %broadcast_in_dim3A_241 = vector.shape_cast %xor3A_240 : vector<16xi32> to vector<16x1xi32>
    %gather3A_242 = vector.shape_cast %broadcast_in_dim3A_241 : vector<16x1xi32> to vector<16xi32>
    %gather3A_243 = tpu.dynamic_gather %max3A_237[%gather3A_242] in [0] : vector<16xf32>, vector<16xi32> -> vector<16xf32>
    %max3A_244 = arith.maximumf %max3A_237, %gather3A_243 : vector<16xf32>
    %eq3A_245 = arith.cmpf oeq, %select_n3A_216, %max3A_244 : vector<16xf32>
    %jit3A_246 = arith.constant 16 : i32
    %broadcast_in_dim3A_247 = vector.broadcast %jit3A_246 : i32 to vector<16xi32>
    %select_n3A_248 = arith.select %eq3A_245, %iota3A, %broadcast_in_dim3A_247 : vector<16xi1>, vector<16xi32>
    %xor3A_249 = arith.constant 8 : i32
    %xor3A_250 = vector.broadcast %xor3A_249 : i32 to vector<16xi32>
    %xor3A_251 = arith.xori %iota3A, %xor3A_250 : vector<16xi32>
    %broadcast_in_dim3A_252 = vector.shape_cast %xor3A_251 : vector<16xi32> to vector<16x1xi32>
    %gather3A_253 = vector.shape_cast %broadcast_in_dim3A_252 : vector<16x1xi32> to vector<16xi32>
    %gather3A_254 = tpu.dynamic_gather %select_n3A_248[%gather3A_253] in [0] : vector<16xi32>, vector<16xi32> -> vector<16xi32>
    %min3A_255 = arith.minsi %select_n3A_248, %gather3A_254 : vector<16xi32>
    %xor3A_256 = arith.constant 4 : i32
    %xor3A_257 = vector.broadcast %xor3A_256 : i32 to vector<16xi32>
    %xor3A_258 = arith.xori %iota3A, %xor3A_257 : vector<16xi32>
    %broadcast_in_dim3A_259 = vector.shape_cast %xor3A_258 : vector<16xi32> to vector<16x1xi32>
    %gather3A_260 = vector.shape_cast %broadcast_in_dim3A_259 : vector<16x1xi32> to vector<16xi32>
    %gather3A_261 = tpu.dynamic_gather %min3A_255[%gather3A_260] in [0] : vector<16xi32>, vector<16xi32> -> vector<16xi32>
    %min3A_262 = arith.minsi %min3A_255, %gather3A_261 : vector<16xi32>
    %xor3A_263 = arith.constant 2 : i32
    %xor3A_264 = vector.broadcast %xor3A_263 : i32 to vector<16xi32>
    %xor3A_265 = arith.xori %iota3A, %xor3A_264 : vector<16xi32>
    %broadcast_in_dim3A_266 = vector.shape_cast %xor3A_265 : vector<16xi32> to vector<16x1xi32>
    %gather3A_267 = vector.shape_cast %broadcast_in_dim3A_266 : vector<16x1xi32> to vector<16xi32>
    %gather3A_268 = tpu.dynamic_gather %min3A_262[%gather3A_267] in [0] : vector<16xi32>, vector<16xi32> -> vector<16xi32>
    %min3A_269 = arith.minsi %min3A_262, %gather3A_268 : vector<16xi32>
    %xor3A_270 = arith.constant 1 : i32
    %xor3A_271 = vector.broadcast %xor3A_270 : i32 to vector<16xi32>
    %xor3A_272 = arith.xori %iota3A, %xor3A_271 : vector<16xi32>
    %broadcast_in_dim3A_273 = vector.shape_cast %xor3A_272 : vector<16xi32> to vector<16x1xi32>
    %gather3A_274 = vector.shape_cast %broadcast_in_dim3A_273 : vector<16x1xi32> to vector<16xi32>
    %gather3A_275 = tpu.dynamic_gather %min3A_269[%gather3A_274] in [0] : vector<16xi32>, vector<16xi32> -> vector<16xi32>
    %min3A_276 = arith.minsi %min3A_269, %gather3A_275 : vector<16xi32>
    %eq3A_277 = arith.cmpi eq, %iota3A, %min3A_276 : vector<16xi32>
    %sub3A_278 = arith.subf %max3A_244, %max3A_180 : vector<16xf32>
    %exp3A_279 = math.exp %sub3A_278 : vector<16xf32>
    %add3A_280 = arith.constant 1.000000e+00 : f32
    %add3A_281 = vector.broadcast %add3A_280 : f32 to vector<16xf32>
    %add3A_282 = arith.addf %add3A_281, %exp3A_279 : vector<16xf32>
    %div3A_283 = arith.constant 1.000000e+00 : f32
    %div3A_284 = vector.broadcast %div3A_283 : f32 to vector<16xf32>
    %div3A_285 = arith.divf %div3A_284, %add3A_282 : vector<16xf32>
    %sub3A_286 = arith.constant 1.000000e+00 : f32
    %sub3A_287 = vector.broadcast %sub3A_286 : f32 to vector<16xf32>
    %sub3A_288 = arith.subf %sub3A_287, %div3A_285 : vector<16xf32>
    %broadcast_in_dim3A_289 = arith.constant 0.000000e+00 : f32
    %broadcast_in_dim3A_290 = vector.broadcast %broadcast_in_dim3A_289 : f32 to vector<16xf32>
    %select_n3A_291 = arith.select %eq3A_213, %div3A_285, %broadcast_in_dim3A_290 : vector<16xi1>, vector<16xf32>
    %select_n3A_292 = arith.select %eq3A_277, %sub3A_288, %broadcast_in_dim3A_290 : vector<16xi1>, vector<16xf32>
    %add3A_293 = arith.addf %select_n3A_291, %select_n3A_292 : vector<16xf32>
    %swap3A_294 = arith.constant 1 : i32
    %swap3A_295 = arith.index_cast %swap3A_294 : i32 to index
    %swap3A_296 = arith.constant 0 : index
    %swap3A_297 = tpu.vector_load %arg4[%swap3A_295, %swap3A_296] {strides = array<i32>} : memref<4x16xf32, #tpu.memory_space<vmem>>, vector<1x16xf32>,
    %swap3A_298 = vector.shape_cast %swap3A_297 : vector<1x16xf32> to vector<16xf32>
    %swap3A_299 = vector.shape_cast %add3A_293 : vector<16xf32> to vector<1x16xf32>
    tpu.vector_store %arg4[%swap3A_295, %swap3A_296], %swap3A_299 {strides = array<i32>} : memref<4x16xf32, #tpu.memory_space<vmem>>, vector<1x16xf32>,
    %get3A_300 = arith.constant 2 : i32
    %get3A_301 = arith.index_cast %get3A_300 : i32 to index
    %get3A_302 = arith.constant 0 : index
    %get3A_303 = tpu.vector_load %arg4[%get3A_301, %get3A_302] {strides = array<i32>} : memref<4x16xf32, #tpu.memory_space<vmem>>, vector<1x16xf32>,
    %get3A_304 = vector.shape_cast %get3A_303 : vector<1x16xf32> to vector<16xf32>
    %xor3A_305 = arith.constant 8 : i32
    %xor3A_306 = vector.broadcast %xor3A_305 : i32 to vector<16xi32>
    %xor3A_307 = arith.xori %iota3A, %xor3A_306 : vector<16xi32>
    %broadcast_in_dim3A_308 = vector.shape_cast %xor3A_307 : vector<16xi32> to vector<16x1xi32>
    %gather3A_309 = vector.shape_cast %broadcast_in_dim3A_308 : vector<16x1xi32> to vector<16xi32>
    %gather3A_310 = tpu.dynamic_gather %get3A_304[%gather3A_309] in [0] : vector<16xf32>, vector<16xi32> -> vector<16xf32>
    %max3A_311 = arith.maximumf %get3A_304, %gather3A_310 : vector<16xf32>
    %xor3A_312 = arith.constant 4 : i32
    %xor3A_313 = vector.broadcast %xor3A_312 : i32 to vector<16xi32>
    %xor3A_314 = arith.xori %iota3A, %xor3A_313 : vector<16xi32>
    %broadcast_in_dim3A_315 = vector.shape_cast %xor3A_314 : vector<16xi32> to vector<16x1xi32>
    %gather3A_316 = vector.shape_cast %broadcast_in_dim3A_315 : vector<16x1xi32> to vector<16xi32>
    %gather3A_317 = tpu.dynamic_gather %max3A_311[%gather3A_316] in [0] : vector<16xf32>, vector<16xi32> -> vector<16xf32>
    %max3A_318 = arith.maximumf %max3A_311, %gather3A_317 : vector<16xf32>
    %xor3A_319 = arith.constant 2 : i32
    %xor3A_320 = vector.broadcast %xor3A_319 : i32 to vector<16xi32>
    %xor3A_321 = arith.xori %iota3A, %xor3A_320 : vector<16xi32>
    %broadcast_in_dim3A_322 = vector.shape_cast %xor3A_321 : vector<16xi32> to vector<16x1xi32>
    %gather3A_323 = vector.shape_cast %broadcast_in_dim3A_322 : vector<16x1xi32> to vector<16xi32>
    %gather3A_324 = tpu.dynamic_gather %max3A_318[%gather3A_323] in [0] : vector<16xf32>, vector<16xi32> -> vector<16xf32>
    %max3A_325 = arith.maximumf %max3A_318, %gather3A_324 : vector<16xf32>
    %xor3A_326 = arith.constant 1 : i32
    %xor3A_327 = vector.broadcast %xor3A_326 : i32 to vector<16xi32>
    %xor3A_328 = arith.xori %iota3A, %xor3A_327 : vector<16xi32>
    %broadcast_in_dim3A_329 = vector.shape_cast %xor3A_328 : vector<16xi32> to vector<16x1xi32>
    %gather3A_330 = vector.shape_cast %broadcast_in_dim3A_329 : vector<16x1xi32> to vector<16xi32>
    %gather3A_331 = tpu.dynamic_gather %max3A_325[%gather3A_330] in [0] : vector<16xf32>, vector<16xi32> -> vector<16xf32>
    %max3A_332 = arith.maximumf %max3A_325, %gather3A_331 : vector<16xf32>
    %eq3A_333 = arith.cmpf oeq, %get3A_304, %max3A_332 : vector<16xf32>
    %jit3A_334 = arith.constant 16 : i32
    %broadcast_in_dim3A_335 = vector.broadcast %jit3A_334 : i32 to vector<16xi32>
    %select_n3A_336 = arith.select %eq3A_333, %iota3A, %broadcast_in_dim3A_335 : vector<16xi1>, vector<16xi32>
    %xor3A_337 = arith.constant 8 : i32
    %xor3A_338 = vector.broadcast %xor3A_337 : i32 to vector<16xi32>
    %xor3A_339 = arith.xori %iota3A, %xor3A_338 : vector<16xi32>
    %broadcast_in_dim3A_340 = vector.shape_cast %xor3A_339 : vector<16xi32> to vector<16x1xi32>
    %gather3A_341 = vector.shape_cast %broadcast_in_dim3A_340 : vector<16x1xi32> to vector<16xi32>
    %gather3A_342 = tpu.dynamic_gather %select_n3A_336[%gather3A_341] in [0] : vector<16xi32>, vector<16xi32> -> vector<16xi32>
    %min3A_343 = arith.minsi %select_n3A_336, %gather3A_342 : vector<16xi32>
    %xor3A_344 = arith.constant 4 : i32
    %xor3A_345 = vector.broadcast %xor3A_344 : i32 to vector<16xi32>
    %xor3A_346 = arith.xori %iota3A, %xor3A_345 : vector<16xi32>
    %broadcast_in_dim3A_347 = vector.shape_cast %xor3A_346 : vector<16xi32> to vector<16x1xi32>
    %gather3A_348 = vector.shape_cast %broadcast_in_dim3A_347 : vector<16x1xi32> to vector<16xi32>
    %gather3A_349 = tpu.dynamic_gather %min3A_343[%gather3A_348] in [0] : vector<16xi32>, vector<16xi32> -> vector<16xi32>
    %min3A_350 = arith.minsi %min3A_343, %gather3A_349 : vector<16xi32>
    %xor3A_351 = arith.constant 2 : i32
    %xor3A_352 = vector.broadcast %xor3A_351 : i32 to vector<16xi32>
    %xor3A_353 = arith.xori %iota3A, %xor3A_352 : vector<16xi32>
    %broadcast_in_dim3A_354 = vector.shape_cast %xor3A_353 : vector<16xi32> to vector<16x1xi32>
    %gather3A_355 = vector.shape_cast %broadcast_in_dim3A_354 : vector<16x1xi32> to vector<16xi32>
    %gather3A_356 = tpu.dynamic_gather %min3A_350[%gather3A_355] in [0] : vector<16xi32>, vector<16xi32> -> vector<16xi32>
    %min3A_357 = arith.minsi %min3A_350, %gather3A_356 : vector<16xi32>
    %xor3A_358 = arith.constant 1 : i32
    %xor3A_359 = vector.broadcast %xor3A_358 : i32 to vector<16xi32>
    %xor3A_360 = arith.xori %iota3A, %xor3A_359 : vector<16xi32>
    %broadcast_in_dim3A_361 = vector.shape_cast %xor3A_360 : vector<16xi32> to vector<16x1xi32>
    %gather3A_362 = vector.shape_cast %broadcast_in_dim3A_361 : vector<16x1xi32> to vector<16xi32>
    %gather3A_363 = tpu.dynamic_gather %min3A_357[%gather3A_362] in [0] : vector<16xi32>, vector<16xi32> -> vector<16xi32>
    %min3A_364 = arith.minsi %min3A_357, %gather3A_363 : vector<16xi32>
    %eq3A_365 = arith.cmpi eq, %iota3A, %min3A_364 : vector<16xi32>
    %jit3A_366 = arith.constant -1.000000e+30 : f32
    %broadcast_in_dim3A_367 = vector.broadcast %jit3A_366 : f32 to vector<16xf32>
    %select_n3A_368 = arith.select %eq3A_365, %broadcast_in_dim3A_367, %get3A_304 : vector<16xi1>, vector<16xf32>
    %xor3A_369 = arith.constant 8 : i32
    %xor3A_370 = vector.broadcast %xor3A_369 : i32 to vector<16xi32>
    %xor3A_371 = arith.xori %iota3A, %xor3A_370 : vector<16xi32>
    %broadcast_in_dim3A_372 = vector.shape_cast %xor3A_371 : vector<16xi32> to vector<16x1xi32>
    %gather3A_373 = vector.shape_cast %broadcast_in_dim3A_372 : vector<16x1xi32> to vector<16xi32>
    %gather3A_374 = tpu.dynamic_gather %select_n3A_368[%gather3A_373] in [0] : vector<16xf32>, vector<16xi32> -> vector<16xf32>
    %max3A_375 = arith.maximumf %select_n3A_368, %gather3A_374 : vector<16xf32>
    %xor3A_376 = arith.constant 4 : i32
    %xor3A_377 = vector.broadcast %xor3A_376 : i32 to vector<16xi32>
    %xor3A_378 = arith.xori %iota3A, %xor3A_377 : vector<16xi32>
    %broadcast_in_dim3A_379 = vector.shape_cast %xor3A_378 : vector<16xi32> to vector<16x1xi32>
    %gather3A_380 = vector.shape_cast %broadcast_in_dim3A_379 : vector<16x1xi32> to vector<16xi32>
    %gather3A_381 = tpu.dynamic_gather %max3A_375[%gather3A_380] in [0] : vector<16xf32>, vector<16xi32> -> vector<16xf32>
    %max3A_382 = arith.maximumf %max3A_375, %gather3A_381 : vector<16xf32>
    %xor3A_383 = arith.constant 2 : i32
    %xor3A_384 = vector.broadcast %xor3A_383 : i32 to vector<16xi32>
    %xor3A_385 = arith.xori %iota3A, %xor3A_384 : vector<16xi32>
    %broadcast_in_dim3A_386 = vector.shape_cast %xor3A_385 : vector<16xi32> to vector<16x1xi32>
    %gather3A_387 = vector.shape_cast %broadcast_in_dim3A_386 : vector<16x1xi32> to vector<16xi32>
    %gather3A_388 = tpu.dynamic_gather %max3A_382[%gather3A_387] in [0] : vector<16xf32>, vector<16xi32> -> vector<16xf32>
    %max3A_389 = arith.maximumf %max3A_382, %gather3A_388 : vector<16xf32>
    %xor3A_390 = arith.constant 1 : i32
    %xor3A_391 = vector.broadcast %xor3A_390 : i32 to vector<16xi32>
    %xor3A_392 = arith.xori %iota3A, %xor3A_391 : vector<16xi32>
    %broadcast_in_dim3A_393 = vector.shape_cast %xor3A_392 : vector<16xi32> to vector<16x1xi32>
    %gather3A_394 = vector.shape_cast %broadcast_in_dim3A_393 : vector<16x1xi32> to vector<16xi32>
    %gather3A_395 = tpu.dynamic_gather %max3A_389[%gather3A_394] in [0] : vector<16xf32>, vector<16xi32> -> vector<16xf32>
    %max3A_396 = arith.maximumf %max3A_389, %gather3A_395 : vector<16xf32>
    %eq3A_397 = arith.cmpf oeq, %select_n3A_368, %max3A_396 : vector<16xf32>
    %jit3A_398 = arith.constant 16 : i32
    %broadcast_in_dim3A_399 = vector.broadcast %jit3A_398 : i32 to vector<16xi32>
    %select_n3A_400 = arith.select %eq3A_397, %iota3A, %broadcast_in_dim3A_399 : vector<16xi1>, vector<16xi32>
    %xor3A_401 = arith.constant 8 : i32
    %xor3A_402 = vector.broadcast %xor3A_401 : i32 to vector<16xi32>
    %xor3A_403 = arith.xori %iota3A, %xor3A_402 : vector<16xi32>
    %broadcast_in_dim3A_404 = vector.shape_cast %xor3A_403 : vector<16xi32> to vector<16x1xi32>
    %gather3A_405 = vector.shape_cast %broadcast_in_dim3A_404 : vector<16x1xi32> to vector<16xi32>
    %gather3A_406 = tpu.dynamic_gather %select_n3A_400[%gather3A_405] in [0] : vector<16xi32>, vector<16xi32> -> vector<16xi32>
    %min3A_407 = arith.minsi %select_n3A_400, %gather3A_406 : vector<16xi32>
    %xor3A_408 = arith.constant 4 : i32
    %xor3A_409 = vector.broadcast %xor3A_408 : i32 to vector<16xi32>
    %xor3A_410 = arith.xori %iota3A, %xor3A_409 : vector<16xi32>
    %broadcast_in_dim3A_411 = vector.shape_cast %xor3A_410 : vector<16xi32> to vector<16x1xi32>
    %gather3A_412 = vector.shape_cast %broadcast_in_dim3A_411 : vector<16x1xi32> to vector<16xi32>
    %gather3A_413 = tpu.dynamic_gather %min3A_407[%gather3A_412] in [0] : vector<16xi32>, vector<16xi32> -> vector<16xi32>
    %min3A_414 = arith.minsi %min3A_407, %gather3A_413 : vector<16xi32>
    %xor3A_415 = arith.constant 2 : i32
    %xor3A_416 = vector.broadcast %xor3A_415 : i32 to vector<16xi32>
    %xor3A_417 = arith.xori %iota3A, %xor3A_416 : vector<16xi32>
    %broadcast_in_dim3A_418 = vector.shape_cast %xor3A_417 : vector<16xi32> to vector<16x1xi32>
    %gather3A_419 = vector.shape_cast %broadcast_in_dim3A_418 : vector<16x1xi32> to vector<16xi32>
    %gather3A_420 = tpu.dynamic_gather %min3A_414[%gather3A_419] in [0] : vector<16xi32>, vector<16xi32> -> vector<16xi32>
    %min3A_421 = arith.minsi %min3A_414, %gather3A_420 : vector<16xi32>
    %xor3A_422 = arith.constant 1 : i32
    %xor3A_423 = vector.broadcast %xor3A_422 : i32 to vector<16xi32>
    %xor3A_424 = arith.xori %iota3A, %xor3A_423 : vector<16xi32>
    %broadcast_in_dim3A_425 = vector.shape_cast %xor3A_424 : vector<16xi32> to vector<16x1xi32>
    %gather3A_426 = vector.shape_cast %broadcast_in_dim3A_425 : vector<16x1xi32> to vector<16xi32>
    %gather3A_427 = tpu.dynamic_gather %min3A_421[%gather3A_426] in [0] : vector<16xi32>, vector<16xi32> -> vector<16xi32>
    %min3A_428 = arith.minsi %min3A_421, %gather3A_427 : vector<16xi32>
    %eq3A_429 = arith.cmpi eq, %iota3A, %min3A_428 : vector<16xi32>
    %sub3A_430 = arith.subf %max3A_396, %max3A_332 : vector<16xf32>
    %exp3A_431 = math.exp %sub3A_430 : vector<16xf32>
    %add3A_432 = arith.constant 1.000000e+00 : f32
    %add3A_433 = vector.broadcast %add3A_432 : f32 to vector<16xf32>
    %add3A_434 = arith.addf %add3A_433, %exp3A_431 : vector<16xf32>
    %div3A_435 = arith.constant 1.000000e+00 : f32
    %div3A_436 = vector.broadcast %div3A_435 : f32 to vector<16xf32>
    %div3A_437 = arith.divf %div3A_436, %add3A_434 : vector<16xf32>
    %sub3A_438 = arith.constant 1.000000e+00 : f32
    %sub3A_439 = vector.broadcast %sub3A_438 : f32 to vector<16xf32>
    %sub3A_440 = arith.subf %sub3A_439, %div3A_437 : vector<16xf32>
    %broadcast_in_dim3A_441 = arith.constant 0.000000e+00 : f32
    %broadcast_in_dim3A_442 = vector.broadcast %broadcast_in_dim3A_441 : f32 to vector<16xf32>
    %select_n3A_443 = arith.select %eq3A_365, %div3A_437, %broadcast_in_dim3A_442 : vector<16xi1>, vector<16xf32>
    %select_n3A_444 = arith.select %eq3A_429, %sub3A_440, %broadcast_in_dim3A_442 : vector<16xi1>, vector<16xf32>
    %add3A_445 = arith.addf %select_n3A_443, %select_n3A_444 : vector<16xf32>
    %swap3A_446 = arith.constant 2 : i32
    %swap3A_447 = arith.index_cast %swap3A_446 : i32 to index
    %swap3A_448 = arith.constant 0 : index
    %swap3A_449 = tpu.vector_load %arg4[%swap3A_447, %swap3A_448] {strides = array<i32>} : memref<4x16xf32, #tpu.memory_space<vmem>>, vector<1x16xf32>,
    %swap3A_450 = vector.shape_cast %swap3A_449 : vector<1x16xf32> to vector<16xf32>
    %swap3A_451 = vector.shape_cast %add3A_445 : vector<16xf32> to vector<1x16xf32>
    tpu.vector_store %arg4[%swap3A_447, %swap3A_448], %swap3A_451 {strides = array<i32>} : memref<4x16xf32, #tpu.memory_space<vmem>>, vector<1x16xf32>,
    %get3A_452 = arith.constant 3 : i32
    %get3A_453 = arith.index_cast %get3A_452 : i32 to index
    %get3A_454 = arith.constant 0 : index
    %get3A_455 = tpu.vector_load %arg4[%get3A_453, %get3A_454] {strides = array<i32>} : memref<4x16xf32, #tpu.memory_space<vmem>>, vector<1x16xf32>,
    %get3A_456 = vector.shape_cast %get3A_455 : vector<1x16xf32> to vector<16xf32>
    %xor3A_457 = arith.constant 8 : i32
    %xor3A_458 = vector.broadcast %xor3A_457 : i32 to vector<16xi32>
    %xor3A_459 = arith.xori %iota3A, %xor3A_458 : vector<16xi32>
    %broadcast_in_dim3A_460 = vector.shape_cast %xor3A_459 : vector<16xi32> to vector<16x1xi32>
    %gather3A_461 = vector.shape_cast %broadcast_in_dim3A_460 : vector<16x1xi32> to vector<16xi32>
    %gather3A_462 = tpu.dynamic_gather %get3A_456[%gather3A_461] in [0] : vector<16xf32>, vector<16xi32> -> vector<16xf32>
    %max3A_463 = arith.maximumf %get3A_456, %gather3A_462 : vector<16xf32>
    %xor3A_464 = arith.constant 4 : i32
    %xor3A_465 = vector.broadcast %xor3A_464 : i32 to vector<16xi32>
    %xor3A_466 = arith.xori %iota3A, %xor3A_465 : vector<16xi32>
    %broadcast_in_dim3A_467 = vector.shape_cast %xor3A_466 : vector<16xi32> to vector<16x1xi32>
    %gather3A_468 = vector.shape_cast %broadcast_in_dim3A_467 : vector<16x1xi32> to vector<16xi32>
    %gather3A_469 = tpu.dynamic_gather %max3A_463[%gather3A_468] in [0] : vector<16xf32>, vector<16xi32> -> vector<16xf32>
    %max3A_470 = arith.maximumf %max3A_463, %gather3A_469 : vector<16xf32>
    %xor3A_471 = arith.constant 2 : i32
    %xor3A_472 = vector.broadcast %xor3A_471 : i32 to vector<16xi32>
    %xor3A_473 = arith.xori %iota3A, %xor3A_472 : vector<16xi32>
    %broadcast_in_dim3A_474 = vector.shape_cast %xor3A_473 : vector<16xi32> to vector<16x1xi32>
    %gather3A_475 = vector.shape_cast %broadcast_in_dim3A_474 : vector<16x1xi32> to vector<16xi32>
    %gather3A_476 = tpu.dynamic_gather %max3A_470[%gather3A_475] in [0] : vector<16xf32>, vector<16xi32> -> vector<16xf32>
    %max3A_477 = arith.maximumf %max3A_470, %gather3A_476 : vector<16xf32>
    %xor3A_478 = arith.constant 1 : i32
    %xor3A_479 = vector.broadcast %xor3A_478 : i32 to vector<16xi32>
    %xor3A_480 = arith.xori %iota3A, %xor3A_479 : vector<16xi32>
    %broadcast_in_dim3A_481 = vector.shape_cast %xor3A_480 : vector<16xi32> to vector<16x1xi32>
    %gather3A_482 = vector.shape_cast %broadcast_in_dim3A_481 : vector<16x1xi32> to vector<16xi32>
    %gather3A_483 = tpu.dynamic_gather %max3A_477[%gather3A_482] in [0] : vector<16xf32>, vector<16xi32> -> vector<16xf32>
    %max3A_484 = arith.maximumf %max3A_477, %gather3A_483 : vector<16xf32>
    %eq3A_485 = arith.cmpf oeq, %get3A_456, %max3A_484 : vector<16xf32>
    %jit3A_486 = arith.constant 16 : i32
    %broadcast_in_dim3A_487 = vector.broadcast %jit3A_486 : i32 to vector<16xi32>
    %select_n3A_488 = arith.select %eq3A_485, %iota3A, %broadcast_in_dim3A_487 : vector<16xi1>, vector<16xi32>
    %xor3A_489 = arith.constant 8 : i32
    %xor3A_490 = vector.broadcast %xor3A_489 : i32 to vector<16xi32>
    %xor3A_491 = arith.xori %iota3A, %xor3A_490 : vector<16xi32>
    %broadcast_in_dim3A_492 = vector.shape_cast %xor3A_491 : vector<16xi32> to vector<16x1xi32>
    %gather3A_493 = vector.shape_cast %broadcast_in_dim3A_492 : vector<16x1xi32> to vector<16xi32>
    %gather3A_494 = tpu.dynamic_gather %select_n3A_488[%gather3A_493] in [0] : vector<16xi32>, vector<16xi32> -> vector<16xi32>
    %min3A_495 = arith.minsi %select_n3A_488, %gather3A_494 : vector<16xi32>
    %xor3A_496 = arith.constant 4 : i32
    %xor3A_497 = vector.broadcast %xor3A_496 : i32 to vector<16xi32>
    %xor3A_498 = arith.xori %iota3A, %xor3A_497 : vector<16xi32>
    %broadcast_in_dim3A_499 = vector.shape_cast %xor3A_498 : vector<16xi32> to vector<16x1xi32>
    %gather3A_500 = vector.shape_cast %broadcast_in_dim3A_499 : vector<16x1xi32> to vector<16xi32>
    %gather3A_501 = tpu.dynamic_gather %min3A_495[%gather3A_500] in [0] : vector<16xi32>, vector<16xi32> -> vector<16xi32>
    %min3A_502 = arith.minsi %min3A_495, %gather3A_501 : vector<16xi32>
    %xor3A_503 = arith.constant 2 : i32
    %xor3A_504 = vector.broadcast %xor3A_503 : i32 to vector<16xi32>
    %xor3A_505 = arith.xori %iota3A, %xor3A_504 : vector<16xi32>
    %broadcast_in_dim3A_506 = vector.shape_cast %xor3A_505 : vector<16xi32> to vector<16x1xi32>
    %gather3A_507 = vector.shape_cast %broadcast_in_dim3A_506 : vector<16x1xi32> to vector<16xi32>
    %gather3A_508 = tpu.dynamic_gather %min3A_502[%gather3A_507] in [0] : vector<16xi32>, vector<16xi32> -> vector<16xi32>
    %min3A_509 = arith.minsi %min3A_502, %gather3A_508 : vector<16xi32>
    %xor3A_510 = arith.constant 1 : i32
    %xor3A_511 = vector.broadcast %xor3A_510 : i32 to vector<16xi32>
    %xor3A_512 = arith.xori %iota3A, %xor3A_511 : vector<16xi32>
    %broadcast_in_dim3A_513 = vector.shape_cast %xor3A_512 : vector<16xi32> to vector<16x1xi32>
    %gather3A_514 = vector.shape_cast %broadcast_in_dim3A_513 : vector<16x1xi32> to vector<16xi32>
    %gather3A_515 = tpu.dynamic_gather %min3A_509[%gather3A_514] in [0] : vector<16xi32>, vector<16xi32> -> vector<16xi32>
    %min3A_516 = arith.minsi %min3A_509, %gather3A_515 : vector<16xi32>
    %eq3A_517 = arith.cmpi eq, %iota3A, %min3A_516 : vector<16xi32>
    %jit3A_518 = arith.constant -1.000000e+30 : f32
    %broadcast_in_dim3A_519 = vector.broadcast %jit3A_518 : f32 to vector<16xf32>
    %select_n3A_520 = arith.select %eq3A_517, %broadcast_in_dim3A_519, %get3A_456 : vector<16xi1>, vector<16xf32>
    %xor3A_521 = arith.constant 8 : i32
    %xor3A_522 = vector.broadcast %xor3A_521 : i32 to vector<16xi32>
    %xor3A_523 = arith.xori %iota3A, %xor3A_522 : vector<16xi32>
    %broadcast_in_dim3A_524 = vector.shape_cast %xor3A_523 : vector<16xi32> to vector<16x1xi32>
    %gather3A_525 = vector.shape_cast %broadcast_in_dim3A_524 : vector<16x1xi32> to vector<16xi32>
    %gather3A_526 = tpu.dynamic_gather %select_n3A_520[%gather3A_525] in [0] : vector<16xf32>, vector<16xi32> -> vector<16xf32>
    %max3A_527 = arith.maximumf %select_n3A_520, %gather3A_526 : vector<16xf32>
    %xor3A_528 = arith.constant 4 : i32
    %xor3A_529 = vector.broadcast %xor3A_528 : i32 to vector<16xi32>
    %xor3A_530 = arith.xori %iota3A, %xor3A_529 : vector<16xi32>
    %broadcast_in_dim3A_531 = vector.shape_cast %xor3A_530 : vector<16xi32> to vector<16x1xi32>
    %gather3A_532 = vector.shape_cast %broadcast_in_dim3A_531 : vector<16x1xi32> to vector<16xi32>
    %gather3A_533 = tpu.dynamic_gather %max3A_527[%gather3A_532] in [0] : vector<16xf32>, vector<16xi32> -> vector<16xf32>
    %max3A_534 = arith.maximumf %max3A_527, %gather3A_533 : vector<16xf32>
    %xor3A_535 = arith.constant 2 : i32
    %xor3A_536 = vector.broadcast %xor3A_535 : i32 to vector<16xi32>
    %xor3A_537 = arith.xori %iota3A, %xor3A_536 : vector<16xi32>
    %broadcast_in_dim3A_538 = vector.shape_cast %xor3A_537 : vector<16xi32> to vector<16x1xi32>
    %gather3A_539 = vector.shape_cast %broadcast_in_dim3A_538 : vector<16x1xi32> to vector<16xi32>
    %gather3A_540 = tpu.dynamic_gather %max3A_534[%gather3A_539] in [0] : vector<16xf32>, vector<16xi32> -> vector<16xf32>
    %max3A_541 = arith.maximumf %max3A_534, %gather3A_540 : vector<16xf32>
    %xor3A_542 = arith.constant 1 : i32
    %xor3A_543 = vector.broadcast %xor3A_542 : i32 to vector<16xi32>
    %xor3A_544 = arith.xori %iota3A, %xor3A_543 : vector<16xi32>
    %broadcast_in_dim3A_545 = vector.shape_cast %xor3A_544 : vector<16xi32> to vector<16x1xi32>
    %gather3A_546 = vector.shape_cast %broadcast_in_dim3A_545 : vector<16x1xi32> to vector<16xi32>
    %gather3A_547 = tpu.dynamic_gather %max3A_541[%gather3A_546] in [0] : vector<16xf32>, vector<16xi32> -> vector<16xf32>
    %max3A_548 = arith.maximumf %max3A_541, %gather3A_547 : vector<16xf32>
    %eq3A_549 = arith.cmpf oeq, %select_n3A_520, %max3A_548 : vector<16xf32>
    %jit3A_550 = arith.constant 16 : i32
    %broadcast_in_dim3A_551 = vector.broadcast %jit3A_550 : i32 to vector<16xi32>
    %select_n3A_552 = arith.select %eq3A_549, %iota3A, %broadcast_in_dim3A_551 : vector<16xi1>, vector<16xi32>
    %xor3A_553 = arith.constant 8 : i32
    %xor3A_554 = vector.broadcast %xor3A_553 : i32 to vector<16xi32>
    %xor3A_555 = arith.xori %iota3A, %xor3A_554 : vector<16xi32>
    %broadcast_in_dim3A_556 = vector.shape_cast %xor3A_555 : vector<16xi32> to vector<16x1xi32>
    %gather3A_557 = vector.shape_cast %broadcast_in_dim3A_556 : vector<16x1xi32> to vector<16xi32>
    %gather3A_558 = tpu.dynamic_gather %select_n3A_552[%gather3A_557] in [0] : vector<16xi32>, vector<16xi32> -> vector<16xi32>
    %min3A_559 = arith.minsi %select_n3A_552, %gather3A_558 : vector<16xi32>
    %xor3A_560 = arith.constant 4 : i32
    %xor3A_561 = vector.broadcast %xor3A_560 : i32 to vector<16xi32>
    %xor3A_562 = arith.xori %iota3A, %xor3A_561 : vector<16xi32>
    %broadcast_in_dim3A_563 = vector.shape_cast %xor3A_562 : vector<16xi32> to vector<16x1xi32>
    %gather3A_564 = vector.shape_cast %broadcast_in_dim3A_563 : vector<16x1xi32> to vector<16xi32>
    %gather3A_565 = tpu.dynamic_gather %min3A_559[%gather3A_564] in [0] : vector<16xi32>, vector<16xi32> -> vector<16xi32>
    %min3A_566 = arith.minsi %min3A_559, %gather3A_565 : vector<16xi32>
    %xor3A_567 = arith.constant 2 : i32
    %xor3A_568 = vector.broadcast %xor3A_567 : i32 to vector<16xi32>
    %xor3A_569 = arith.xori %iota3A, %xor3A_568 : vector<16xi32>
    %broadcast_in_dim3A_570 = vector.shape_cast %xor3A_569 : vector<16xi32> to vector<16x1xi32>
    %gather3A_571 = vector.shape_cast %broadcast_in_dim3A_570 : vector<16x1xi32> to vector<16xi32>
    %gather3A_572 = tpu.dynamic_gather %min3A_566[%gather3A_571] in [0] : vector<16xi32>, vector<16xi32> -> vector<16xi32>
    %min3A_573 = arith.minsi %min3A_566, %gather3A_572 : vector<16xi32>
    %xor3A_574 = arith.constant 1 : i32
    %xor3A_575 = vector.broadcast %xor3A_574 : i32 to vector<16xi32>
    %xor3A_576 = arith.xori %iota3A, %xor3A_575 : vector<16xi32>
    %broadcast_in_dim3A_577 = vector.shape_cast %xor3A_576 : vector<16xi32> to vector<16x1xi32>
    %gather3A_578 = vector.shape_cast %broadcast_in_dim3A_577 : vector<16x1xi32> to vector<16xi32>
    %gather3A_579 = tpu.dynamic_gather %min3A_573[%gather3A_578] in [0] : vector<16xi32>, vector<16xi32> -> vector<16xi32>
    %min3A_580 = arith.minsi %min3A_573, %gather3A_579 : vector<16xi32>
    %eq3A_581 = arith.cmpi eq, %iota3A, %min3A_580 : vector<16xi32>
    %sub3A_582 = arith.subf %max3A_548, %max3A_484 : vector<16xf32>
    %exp3A_583 = math.exp %sub3A_582 : vector<16xf32>
    %add3A_584 = arith.constant 1.000000e+00 : f32
    %add3A_585 = vector.broadcast %add3A_584 : f32 to vector<16xf32>
    %add3A_586 = arith.addf %add3A_585, %exp3A_583 : vector<16xf32>
    %div3A_587 = arith.constant 1.000000e+00 : f32
    %div3A_588 = vector.broadcast %div3A_587 : f32 to vector<16xf32>
    %div3A_589 = arith.divf %div3A_588, %add3A_586 : vector<16xf32>
    %sub3A_590 = arith.constant 1.000000e+00 : f32
    %sub3A_591 = vector.broadcast %sub3A_590 : f32 to vector<16xf32>
    %sub3A_592 = arith.subf %sub3A_591, %div3A_589 : vector<16xf32>
    %broadcast_in_dim3A_593 = arith.constant 0.000000e+00 : f32
    %broadcast_in_dim3A_594 = vector.broadcast %broadcast_in_dim3A_593 : f32 to vector<16xf32>
    %select_n3A_595 = arith.select %eq3A_517, %div3A_589, %broadcast_in_dim3A_594 : vector<16xi1>, vector<16xf32>
    %select_n3A_596 = arith.select %eq3A_581, %sub3A_592, %broadcast_in_dim3A_594 : vector<16xi1>, vector<16xf32>
    %add3A_597 = arith.addf %select_n3A_595, %select_n3A_596 : vector<16xf32>
    %swap3A_598 = arith.constant 3 : i32
    %swap3A_599 = arith.index_cast %swap3A_598 : i32 to index
    %swap3A_600 = arith.constant 0 : index
    %swap3A_601 = tpu.vector_load %arg4[%swap3A_599, %swap3A_600] {strides = array<i32>} : memref<4x16xf32, #tpu.memory_space<vmem>>, vector<1x16xf32>,
    %swap3A_602 = vector.shape_cast %swap3A_601 : vector<1x16xf32> to vector<16xf32>
    %swap3A_603 = vector.shape_cast %add3A_597 : vector<16xf32> to vector<1x16xf32>
    tpu.vector_store %arg4[%swap3A_599, %swap3A_600], %swap3A_603 {strides = array<i32>} : memref<4x16xf32, #tpu.memory_space<vmem>>, vector<1x16xf32>,
    %dma_start3A_604 = arith.constant 0 : i32
    %dma_start3A_605 = tpu.memref_slice %arg3[%mul3A_2, %dma_start3A_604] : memref<128x16xf32, #tpu.memory_space<hbm>> -> memref<4x16xf32, #tpu.memory_space<hbm>>
    %dma_start3A_606 = arith.constant 0 : i32
    %dma_start3A_607 = tpu.memref_slice %arg3[%mul3A_2, %dma_start3A_606] : memref<128x16xf32, #tpu.memory_space<hbm>> -> memref<4x16xf32, #tpu.memory_space<hbm>>
    tpu.enqueue_dma source(%arg4 : memref<4x16xf32, #tpu.memory_space<vmem>>) target(%dma_start3A_607 : memref<4x16xf32, #tpu.memory_space<hbm>>) target_semaphore(%arg5 : memref<!tpu.dma_semaphore, #tpu.memory_space<semaphore_mem>>)
    %dma_wait3A_608 = arith.constant 0 : i32
    %dma_wait3A_609 = tpu.memref_slice %arg3[%mul3A_2, %dma_wait3A_608] : memref<128x16xf32, #tpu.memory_space<hbm>> -> memref<4x16xf32, #tpu.memory_space<hbm>>
    %dma_wait3A_610 = arith.constant 0 : i32
    %dma_wait3A_611 = tpu.memref_slice %arg3[%mul3A_2, %dma_wait3A_610] : memref<128x16xf32, #tpu.memory_space<hbm>> -> memref<4x16xf32, #tpu.memory_space<hbm>>
    tpu.wait_dma2 semaphore(%arg5 : memref<!tpu.dma_semaphore, #tpu.memory_space<semaphore_mem>>) src(%arg4 : memref<4x16xf32, #tpu.memory_space<vmem>>) dst(%dma_wait3A_611 : memref<4x16xf32, #tpu.memory_space<hbm>>)
    return
  }
}

module attributes {stable_mosaic.version = 14 : i64} {
  func.func @_moe_kernel(%arg0: i32, %arg1: memref<128x1024xf32, #tpu.memory_space<vmem>>, %arg2: memref<128x16xf32, #tpu.memory_space<vmem>>, %arg3: memref<1x1024x1024xf32, #tpu.memory_space<vmem>>, %arg4: memref<1x1024x1024xf32, #tpu.memory_space<vmem>>, %arg5: memref<1x1024x1024xf32, #tpu.memory_space<vmem>>, %arg6: memref<1x1024x1024xf32, #tpu.memory_space<vmem>>, %arg7: memref<1x1024x1024xf32, #tpu.memory_space<vmem>>, %arg8: memref<1x1024x1024xf32, #tpu.memory_space<vmem>>, %arg9: memref<2x1x1024xf32, #tpu.memory_space<vmem>>, %arg10: memref<2x1x1024xf32, #tpu.memory_space<vmem>>, %arg11: memref<2x1x1024xf32, #tpu.memory_space<vmem>>, %arg12: memref<128x1024xf32, #tpu.memory_space<vmem>>) attributes {dimension_semantics = [#tpu.dimension_semantics<arbitrary>], iteration_bounds = array<i64: 8>, scalar_prefetch = 0 : i64, scratch_operands = 0 : i64, tpu.core_type = #tpu.core_type<tc>, window_params = [{pipeline_mode = #tpu.pipeline_mode<synchronous>, transform_indices = @transform_0, window_bounds = array<i64: 128, 1024>}, {pipeline_mode = #tpu.pipeline_mode<synchronous>, transform_indices = @transform_1, window_bounds = array<i64: 128, 16>}, {transform_indices = @transform_2, window_bounds = array<i64: 1, 1024, 1024>}, {transform_indices = @transform_3, window_bounds = array<i64: 1, 1024, 1024>}, {transform_indices = @transform_4, window_bounds = array<i64: 1, 1024, 1024>}, {transform_indices = @transform_5, window_bounds = array<i64: 1, 1024, 1024>}, {transform_indices = @transform_6, window_bounds = array<i64: 1, 1024, 1024>}, {transform_indices = @transform_7, window_bounds = array<i64: 1, 1024, 1024>}, {transform_indices = @transform_8, window_bounds = array<i64: 2, 1, 1024>}, {transform_indices = @transform_9, window_bounds = array<i64: 2, 1, 1024>}, {transform_indices = @transform_10, window_bounds = array<i64: 2, 1, 1024>}, {pipeline_mode = #tpu.pipeline_mode<synchronous>, transform_indices = @transform_11, window_bounds = array<i64: 128, 1024>}]} {
    %get3A = arith.constant 0 : index
    %get3A_0 = arith.constant 0 : index
    %get3A_1 = vector.load %arg1[%get3A, %get3A_0] : memref<128x1024xf32, #tpu.memory_space<vmem>>, vector<128x1024xf32>
    %convert_element_type3A = arith.truncf %get3A_1 : vector<128x1024xf32> to vector<128x1024xbf16>
    %get3A_2 = arith.constant 0 : index
    %get3A_3 = arith.constant 0 : index
    %get3A_4 = vector.load %arg2[%get3A_2, %get3A_3] : memref<128x16xf32, #tpu.memory_space<vmem>>, vector<128x16xf32>
    %iota3A = tpu.iota {dimensions = array<i32: 1>} : vector<128x16xi32>
    %get3A_5 = arith.constant 0 : index
    %get3A_6 = arith.constant 0 : index
    %get3A_7 = arith.constant 0 : index
    %get3A_8 = vector.load %arg3[%get3A_5, %get3A_6, %get3A_7] : memref<1x1024x1024xf32, #tpu.memory_space<vmem>>, vector<1x1024x1024xf32>
    %get3A_9 = vector.shape_cast %get3A_8 : vector<1x1024x1024xf32> to vector<1024x1024xf32>
    %convert_element_type3A_10 = arith.truncf %get3A_9 : vector<1024x1024xf32> to vector<1024x1024xbf16>
    %dot_general3A = arith.constant dense<0.000000e+00> : vector<128x1024xf32>
    %dot_general3A_11 = tpu.matmul %convert_element_type3A, %convert_element_type3A_10, %dot_general3A {dimension_numbers = #tpu.dot_dimension_numbers<[1], [1], [0], [0], [0, 0, 1, 0], [], []>, transpose_lhs_hint = false} : vector<128x1024xbf16>, vector<1024x1024xbf16>, vector<128x1024xf32> -> vector<128x1024xf32>
    %get3A_12 = arith.constant 0 : index
    %get3A_13 = arith.constant 0 : index
    %get3A_14 = arith.constant 0 : index
    %get3A_15 = vector.load %arg9[%get3A_12, %get3A_13, %get3A_14] : memref<2x1x1024xf32, #tpu.memory_space<vmem>>, vector<1x1x1024xf32>
    %get3A_16 = vector.shape_cast %get3A_15 : vector<1x1x1024xf32> to vector<1x1024xf32>
    %add3A = vector.broadcast %get3A_16 : vector<1x1024xf32> to vector<128x1024xf32>
    %add3A_17 = arith.addf %dot_general3A_11, %add3A : vector<128x1024xf32>
    %get3A_18 = arith.constant 0 : index
    %get3A_19 = arith.constant 0 : index
    %get3A_20 = arith.constant 0 : index
    %get3A_21 = vector.load %arg5[%get3A_18, %get3A_19, %get3A_20] : memref<1x1024x1024xf32, #tpu.memory_space<vmem>>, vector<1x1024x1024xf32>
    %get3A_22 = vector.shape_cast %get3A_21 : vector<1x1024x1024xf32> to vector<1024x1024xf32>
    %convert_element_type3A_23 = arith.truncf %get3A_22 : vector<1024x1024xf32> to vector<1024x1024xbf16>
    %dot_general3A_24 = arith.constant dense<0.000000e+00> : vector<128x1024xf32>
    %dot_general3A_25 = tpu.matmul %convert_element_type3A, %convert_element_type3A_23, %dot_general3A_24 {dimension_numbers = #tpu.dot_dimension_numbers<[1], [1], [0], [0], [0, 0, 1, 0], [], []>, transpose_lhs_hint = false} : vector<128x1024xbf16>, vector<1024x1024xbf16>, vector<128x1024xf32> -> vector<128x1024xf32>
    %get3A_26 = arith.constant 0 : index
    %get3A_27 = arith.constant 0 : index
    %get3A_28 = arith.constant 0 : index
    %get3A_29 = vector.load %arg10[%get3A_26, %get3A_27, %get3A_28] : memref<2x1x1024xf32, #tpu.memory_space<vmem>>, vector<1x1x1024xf32>
    %get3A_30 = vector.shape_cast %get3A_29 : vector<1x1x1024xf32> to vector<1x1024xf32>
    %add3A_31 = vector.broadcast %get3A_30 : vector<1x1024xf32> to vector<128x1024xf32>
    %add3A_32 = arith.addf %dot_general3A_25, %add3A_31 : vector<128x1024xf32>
    %min3A = arith.constant 7.000000e+00 : f32
    %min3A_33 = vector.broadcast %min3A : f32 to vector<128x1024xf32>
    %min3A_34 = arith.minimumf %add3A_17, %min3A_33 : vector<128x1024xf32>
    %jit3A = arith.constant -7.000000e+00 : f32
    %jit3A_35 = arith.constant 7.000000e+00 : f32
    %max3A = vector.broadcast %jit3A : f32 to vector<128x1024xf32>
    %max3A_36 = arith.maximumf %max3A, %add3A_32 : vector<128x1024xf32>
    %min3A_37 = vector.broadcast %jit3A_35 : f32 to vector<128x1024xf32>
    %min3A_38 = arith.minimumf %min3A_37, %max3A_36 : vector<128x1024xf32>
    %mul3A = arith.constant 1.702000e+00 : f32
    %mul3A_39 = vector.broadcast %mul3A : f32 to vector<128x1024xf32>
    %mul3A_40 = arith.mulf %min3A_34, %mul3A_39 : vector<128x1024xf32>
    %logistic3A = arith.negf %mul3A_40 : vector<128x1024xf32>
    %logistic3A_41 = math.exp %logistic3A : vector<128x1024xf32>
    %logistic3A_42 = arith.constant 1.000000e+00 : f32
    %logistic3A_43 = vector.broadcast %logistic3A_42 : f32 to vector<128x1024xf32>
    %logistic3A_44 = arith.addf %logistic3A_43, %logistic3A_41 : vector<128x1024xf32>
    %logistic3A_45 = arith.divf %logistic3A_43, %logistic3A_44 : vector<128x1024xf32>
    %mul3A_46 = arith.mulf %min3A_34, %logistic3A_45 : vector<128x1024xf32>
    %add3A_47 = arith.constant 1.000000e+00 : f32
    %add3A_48 = vector.broadcast %add3A_47 : f32 to vector<128x1024xf32>
    %add3A_49 = arith.addf %min3A_38, %add3A_48 : vector<128x1024xf32>
    %mul3A_50 = arith.mulf %add3A_49, %mul3A_46 : vector<128x1024xf32>
    %convert_element_type3A_51 = arith.truncf %mul3A_50 : vector<128x1024xf32> to vector<128x1024xbf16>
    %get3A_52 = arith.constant 0 : index
    %get3A_53 = arith.constant 0 : index
    %get3A_54 = arith.constant 0 : index
    %get3A_55 = vector.load %arg7[%get3A_52, %get3A_53, %get3A_54] : memref<1x1024x1024xf32, #tpu.memory_space<vmem>>, vector<1x1024x1024xf32>
    %get3A_56 = vector.shape_cast %get3A_55 : vector<1x1024x1024xf32> to vector<1024x1024xf32>
    %convert_element_type3A_57 = arith.truncf %get3A_56 : vector<1024x1024xf32> to vector<1024x1024xbf16>
    %dot_general3A_58 = arith.constant dense<0.000000e+00> : vector<128x1024xf32>
    %dot_general3A_59 = tpu.matmul %convert_element_type3A_51, %convert_element_type3A_57, %dot_general3A_58 {dimension_numbers = #tpu.dot_dimension_numbers<[1], [1], [0], [0], [0, 0, 1, 0], [], []>, transpose_lhs_hint = false} : vector<128x1024xbf16>, vector<1024x1024xbf16>, vector<128x1024xf32> -> vector<128x1024xf32>
    %get3A_60 = arith.constant 0 : index
    %get3A_61 = arith.constant 0 : index
    %get3A_62 = arith.constant 0 : index
    %get3A_63 = vector.load %arg11[%get3A_60, %get3A_61, %get3A_62] : memref<2x1x1024xf32, #tpu.memory_space<vmem>>, vector<1x1x1024xf32>
    %get3A_64 = vector.shape_cast %get3A_63 : vector<1x1x1024xf32> to vector<1x1024xf32>
    %add3A_65 = vector.broadcast %get3A_64 : vector<1x1024xf32> to vector<128x1024xf32>
    %add3A_66 = arith.addf %dot_general3A_59, %add3A_65 : vector<128x1024xf32>
    %mul3A_67 = arith.constant 2 : i32
    %mul3A_68 = arith.muli %mul3A_67, %arg0 : i32
    %add3A_69 = arith.constant 0 : i32
    %add3A_70 = arith.addi %mul3A_68, %add3A_69 : i32
    %eq3A = vector.broadcast %add3A_70 : i32 to vector<128x16xi32>
    %eq3A_71 = arith.cmpi eq, %iota3A, %eq3A : vector<128x16xi32>
    %jit3A_72 = arith.constant 0.000000e+00 : f32
    %broadcast_in_dim3A = vector.broadcast %jit3A_72 : f32 to vector<128x16xf32>
    %select_n3A = arith.select %eq3A_71, %get3A_4, %broadcast_in_dim3A : vector<128x16xi1>, vector<128x16xf32>
    %reduce_sum3A = arith.constant dense<0.000000e+00> : vector<128xf32>
    %reduce_sum3A_73 = vector.multi_reduction <add>, %select_n3A, %reduce_sum3A [1] : vector<128x16xf32> to vector<128xf32>
    %broadcast_in_dim3A_74 = vector.shape_cast %reduce_sum3A_73 : vector<128xf32> to vector<128x1xf32>
    %mul3A_75 = vector.broadcast %broadcast_in_dim3A_74 : vector<128x1xf32> to vector<128x1024xf32>
    %mul3A_76 = arith.mulf %mul3A_75, %add3A_66 : vector<128x1024xf32>
    %get3A_77 = arith.constant 0 : index
    %get3A_78 = arith.constant 0 : index
    %get3A_79 = arith.constant 0 : index
    %get3A_80 = vector.load %arg4[%get3A_77, %get3A_78, %get3A_79] : memref<1x1024x1024xf32, #tpu.memory_space<vmem>>, vector<1x1024x1024xf32>
    %get3A_81 = vector.shape_cast %get3A_80 : vector<1x1024x1024xf32> to vector<1024x1024xf32>
    %convert_element_type3A_82 = arith.truncf %get3A_81 : vector<1024x1024xf32> to vector<1024x1024xbf16>
    %dot_general3A_83 = arith.constant dense<0.000000e+00> : vector<128x1024xf32>
    %dot_general3A_84 = tpu.matmul %convert_element_type3A, %convert_element_type3A_82, %dot_general3A_83 {dimension_numbers = #tpu.dot_dimension_numbers<[1], [1], [0], [0], [0, 0, 1, 0], [], []>, transpose_lhs_hint = false} : vector<128x1024xbf16>, vector<1024x1024xbf16>, vector<128x1024xf32> -> vector<128x1024xf32>
    %get3A_85 = arith.constant 1 : index
    %get3A_86 = arith.constant 0 : index
    %get3A_87 = arith.constant 0 : index
    %get3A_88 = vector.load %arg9[%get3A_85, %get3A_86, %get3A_87] : memref<2x1x1024xf32, #tpu.memory_space<vmem>>, vector<1x1x1024xf32>
    %get3A_89 = vector.shape_cast %get3A_88 : vector<1x1x1024xf32> to vector<1x1024xf32>
    %add3A_90 = vector.broadcast %get3A_89 : vector<1x1024xf32> to vector<128x1024xf32>
    %add3A_91 = arith.addf %dot_general3A_84, %add3A_90 : vector<128x1024xf32>
    %get3A_92 = arith.constant 0 : index
    %get3A_93 = arith.constant 0 : index
    %get3A_94 = arith.constant 0 : index
    %get3A_95 = vector.load %arg6[%get3A_92, %get3A_93, %get3A_94] : memref<1x1024x1024xf32, #tpu.memory_space<vmem>>, vector<1x1024x1024xf32>
    %get3A_96 = vector.shape_cast %get3A_95 : vector<1x1024x1024xf32> to vector<1024x1024xf32>
    %convert_element_type3A_97 = arith.truncf %get3A_96 : vector<1024x1024xf32> to vector<1024x1024xbf16>
    %dot_general3A_98 = arith.constant dense<0.000000e+00> : vector<128x1024xf32>
    %dot_general3A_99 = tpu.matmul %convert_element_type3A, %convert_element_type3A_97, %dot_general3A_98 {dimension_numbers = #tpu.dot_dimension_numbers<[1], [1], [0], [0], [0, 0, 1, 0], [], []>, transpose_lhs_hint = false} : vector<128x1024xbf16>, vector<1024x1024xbf16>, vector<128x1024xf32> -> vector<128x1024xf32>
    %get3A_100 = arith.constant 1 : index
    %get3A_101 = arith.constant 0 : index
    %get3A_102 = arith.constant 0 : index
    %get3A_103 = vector.load %arg10[%get3A_100, %get3A_101, %get3A_102] : memref<2x1x1024xf32, #tpu.memory_space<vmem>>, vector<1x1x1024xf32>
    %get3A_104 = vector.shape_cast %get3A_103 : vector<1x1x1024xf32> to vector<1x1024xf32>
    %add3A_105 = vector.broadcast %get3A_104 : vector<1x1024xf32> to vector<128x1024xf32>
    %add3A_106 = arith.addf %dot_general3A_99, %add3A_105 : vector<128x1024xf32>
    %min3A_107 = arith.constant 7.000000e+00 : f32
    %min3A_108 = vector.broadcast %min3A_107 : f32 to vector<128x1024xf32>
    %min3A_109 = arith.minimumf %add3A_91, %min3A_108 : vector<128x1024xf32>
    %jit3A_110 = arith.constant -7.000000e+00 : f32
    %jit3A_111 = arith.constant 7.000000e+00 : f32
    %max3A_112 = vector.broadcast %jit3A_110 : f32 to vector<128x1024xf32>
    %max3A_113 = arith.maximumf %max3A_112, %add3A_106 : vector<128x1024xf32>
    %min3A_114 = vector.broadcast %jit3A_111 : f32 to vector<128x1024xf32>
    %min3A_115 = arith.minimumf %min3A_114, %max3A_113 : vector<128x1024xf32>
    %mul3A_116 = arith.constant 1.702000e+00 : f32
    %mul3A_117 = vector.broadcast %mul3A_116 : f32 to vector<128x1024xf32>
    %mul3A_118 = arith.mulf %min3A_109, %mul3A_117 : vector<128x1024xf32>
    %logistic3A_119 = arith.negf %mul3A_118 : vector<128x1024xf32>
    %logistic3A_120 = math.exp %logistic3A_119 : vector<128x1024xf32>
    %logistic3A_121 = arith.constant 1.000000e+00 : f32
    %logistic3A_122 = vector.broadcast %logistic3A_121 : f32 to vector<128x1024xf32>
    %logistic3A_123 = arith.addf %logistic3A_122, %logistic3A_120 : vector<128x1024xf32>
    %logistic3A_124 = arith.divf %logistic3A_122, %logistic3A_123 : vector<128x1024xf32>
    %mul3A_125 = arith.mulf %min3A_109, %logistic3A_124 : vector<128x1024xf32>
    %add3A_126 = arith.constant 1.000000e+00 : f32
    %add3A_127 = vector.broadcast %add3A_126 : f32 to vector<128x1024xf32>
    %add3A_128 = arith.addf %min3A_115, %add3A_127 : vector<128x1024xf32>
    %mul3A_129 = arith.mulf %add3A_128, %mul3A_125 : vector<128x1024xf32>
    %convert_element_type3A_130 = arith.truncf %mul3A_129 : vector<128x1024xf32> to vector<128x1024xbf16>
    %get3A_131 = arith.constant 0 : index
    %get3A_132 = arith.constant 0 : index
    %get3A_133 = arith.constant 0 : index
    %get3A_134 = vector.load %arg8[%get3A_131, %get3A_132, %get3A_133] : memref<1x1024x1024xf32, #tpu.memory_space<vmem>>, vector<1x1024x1024xf32>
    %get3A_135 = vector.shape_cast %get3A_134 : vector<1x1024x1024xf32> to vector<1024x1024xf32>
    %convert_element_type3A_136 = arith.truncf %get3A_135 : vector<1024x1024xf32> to vector<1024x1024xbf16>
    %dot_general3A_137 = arith.constant dense<0.000000e+00> : vector<128x1024xf32>
    %dot_general3A_138 = tpu.matmul %convert_element_type3A_130, %convert_element_type3A_136, %dot_general3A_137 {dimension_numbers = #tpu.dot_dimension_numbers<[1], [1], [0], [0], [0, 0, 1, 0], [], []>, transpose_lhs_hint = false} : vector<128x1024xbf16>, vector<1024x1024xbf16>, vector<128x1024xf32> -> vector<128x1024xf32>
    %get3A_139 = arith.constant 1 : index
    %get3A_140 = arith.constant 0 : index
    %get3A_141 = arith.constant 0 : index
    %get3A_142 = vector.load %arg11[%get3A_139, %get3A_140, %get3A_141] : memref<2x1x1024xf32, #tpu.memory_space<vmem>>, vector<1x1x1024xf32>
    %get3A_143 = vector.shape_cast %get3A_142 : vector<1x1x1024xf32> to vector<1x1024xf32>
    %add3A_144 = vector.broadcast %get3A_143 : vector<1x1024xf32> to vector<128x1024xf32>
    %add3A_145 = arith.addf %dot_general3A_138, %add3A_144 : vector<128x1024xf32>
    %mul3A_146 = arith.constant 2 : i32
    %mul3A_147 = arith.muli %mul3A_146, %arg0 : i32
    %add3A_148 = arith.constant 1 : i32
    %add3A_149 = arith.addi %mul3A_147, %add3A_148 : i32
    %eq3A_150 = vector.broadcast %add3A_149 : i32 to vector<128x16xi32>
    %eq3A_151 = arith.cmpi eq, %iota3A, %eq3A_150 : vector<128x16xi32>
    %jit3A_152 = arith.constant 0.000000e+00 : f32
    %broadcast_in_dim3A_153 = vector.broadcast %jit3A_152 : f32 to vector<128x16xf32>
    %select_n3A_154 = arith.select %eq3A_151, %get3A_4, %broadcast_in_dim3A_153 : vector<128x16xi1>, vector<128x16xf32>
    %reduce_sum3A_155 = arith.constant dense<0.000000e+00> : vector<128xf32>
    %reduce_sum3A_156 = vector.multi_reduction <add>, %select_n3A_154, %reduce_sum3A_155 [1] : vector<128x16xf32> to vector<128xf32>
    %broadcast_in_dim3A_157 = vector.shape_cast %reduce_sum3A_156 : vector<128xf32> to vector<128x1xf32>
    %mul3A_158 = vector.broadcast %broadcast_in_dim3A_157 : vector<128x1xf32> to vector<128x1024xf32>
    %mul3A_159 = arith.mulf %mul3A_158, %add3A_145 : vector<128x1024xf32>
    %add3A_160 = arith.addf %mul3A_76, %mul3A_159 : vector<128x1024xf32>
    %eq3A_161 = arith.constant 0 : i32
    %eq3A_162 = arith.cmpi eq, %arg0, %eq3A_161 : i32
    %convert_element_type3A_163 = arith.extui %eq3A_162 : i1 to i32
    %cond3A = arith.constant 0 : i32
    %cond3A_164 = arith.cmpi ne, %convert_element_type3A_163, %cond3A : i32
    scf.if %cond3A_164 {
      %swap3A = arith.constant 0 : index
      %swap3A_169 = arith.constant 0 : index
      %swap3A_170 = vector.load %arg12[%swap3A, %swap3A_169] : memref<128x1024xf32, #tpu.memory_space<vmem>>, vector<128x1024xf32>
      tpu.vector_store %arg12[%swap3A, %swap3A_169], %add3A_160 {strides = array<i32>} : memref<128x1024xf32, #tpu.memory_space<vmem>>, vector<128x1024xf32>,
    } else {
    }
    %ne3A = arith.constant 0 : i32
    %ne3A_165 = arith.cmpi ne, %arg0, %ne3A : i32
    %convert_element_type3A_166 = arith.extui %ne3A_165 : i1 to i32
    %cond3A_167 = arith.constant 0 : i32
    %cond3A_168 = arith.cmpi ne, %convert_element_type3A_166, %cond3A_167 : i32
    scf.if %cond3A_168 {
      %get3A_169 = arith.constant 0 : index
      %get3A_170 = arith.constant 0 : index
      %get3A_171 = vector.load %arg12[%get3A_169, %get3A_170] : memref<128x1024xf32, #tpu.memory_space<vmem>>, vector<128x1024xf32>
      %add3A_172 = arith.addf %get3A_171, %add3A_160 : vector<128x1024xf32>
      %swap3A = arith.constant 0 : index
      %swap3A_173 = arith.constant 0 : index
      %swap3A_174 = vector.load %arg12[%swap3A, %swap3A_173] : memref<128x1024xf32, #tpu.memory_space<vmem>>, vector<128x1024xf32>
      tpu.vector_store %arg12[%swap3A, %swap3A_173], %add3A_172 {strides = array<i32>} : memref<128x1024xf32, #tpu.memory_space<vmem>>, vector<128x1024xf32>,
    } else {
    }
    return
  }
  func.func @transform_0(%arg0: i32) -> (i32, i32) {
    %c0_i32 = arith.constant 0 : i32
    %c0_i32_0 = arith.constant 0 : i32
    %c0_i32_1 = arith.constant 0 : i32
    return %c0_i32, %c0_i32_0 : i32, i32
  }
  func.func @transform_1(%arg0: i32) -> (i32, i32) {
    %c0_i32 = arith.constant 0 : i32
    %c0_i32_0 = arith.constant 0 : i32
    %c0_i32_1 = arith.constant 0 : i32
    return %c0_i32, %c0_i32_0 : i32, i32
  }
  func.func @transform_2(%arg0: i32) -> (i32, i32, i32) {
    %mul3A = arith.constant 2 : i32
    %mul3A_0 = arith.muli %mul3A, %arg0 : i32
    %c0_i32 = arith.constant 0 : i32
    %c0_i32_1 = arith.constant 0 : i32
    %c0_i32_2 = arith.constant 0 : i32
    return %mul3A_0, %c0_i32, %c0_i32_1 : i32, i32, i32
  }
  func.func @transform_3(%arg0: i32) -> (i32, i32, i32) {
    %mul3A = arith.constant 2 : i32
    %mul3A_0 = arith.muli %mul3A, %arg0 : i32
    %add3A = arith.constant 1 : i32
    %add3A_1 = arith.addi %mul3A_0, %add3A : i32
    %c0_i32 = arith.constant 0 : i32
    %c0_i32_2 = arith.constant 0 : i32
    %c0_i32_3 = arith.constant 0 : i32
    return %add3A_1, %c0_i32, %c0_i32_2 : i32, i32, i32
  }
  func.func @transform_4(%arg0: i32) -> (i32, i32, i32) {
    %mul3A = arith.constant 2 : i32
    %mul3A_0 = arith.muli %mul3A, %arg0 : i32
    %c0_i32 = arith.constant 0 : i32
    %c0_i32_1 = arith.constant 0 : i32
    %c0_i32_2 = arith.constant 0 : i32
    return %mul3A_0, %c0_i32, %c0_i32_1 : i32, i32, i32
  }
  func.func @transform_5(%arg0: i32) -> (i32, i32, i32) {
    %mul3A = arith.constant 2 : i32
    %mul3A_0 = arith.muli %mul3A, %arg0 : i32
    %add3A = arith.constant 1 : i32
    %add3A_1 = arith.addi %mul3A_0, %add3A : i32
    %c0_i32 = arith.constant 0 : i32
    %c0_i32_2 = arith.constant 0 : i32
    %c0_i32_3 = arith.constant 0 : i32
    return %add3A_1, %c0_i32, %c0_i32_2 : i32, i32, i32
  }
  func.func @transform_6(%arg0: i32) -> (i32, i32, i32) {
    %mul3A = arith.constant 2 : i32
    %mul3A_0 = arith.muli %mul3A, %arg0 : i32
    %c0_i32 = arith.constant 0 : i32
    %c0_i32_1 = arith.constant 0 : i32
    %c0_i32_2 = arith.constant 0 : i32
    return %mul3A_0, %c0_i32, %c0_i32_1 : i32, i32, i32
  }
  func.func @transform_7(%arg0: i32) -> (i32, i32, i32) {
    %mul3A = arith.constant 2 : i32
    %mul3A_0 = arith.muli %mul3A, %arg0 : i32
    %add3A = arith.constant 1 : i32
    %add3A_1 = arith.addi %mul3A_0, %add3A : i32
    %c0_i32 = arith.constant 0 : i32
    %c0_i32_2 = arith.constant 0 : i32
    %c0_i32_3 = arith.constant 0 : i32
    return %add3A_1, %c0_i32, %c0_i32_2 : i32, i32, i32
  }
  func.func @transform_8(%arg0: i32) -> (i32, i32, i32) {
    %c0_i32 = arith.constant 0 : i32
    %c0_i32_0 = arith.constant 0 : i32
    %c0_i32_1 = arith.constant 0 : i32
    return %arg0, %c0_i32, %c0_i32_0 : i32, i32, i32
  }
  func.func @transform_9(%arg0: i32) -> (i32, i32, i32) {
    %c0_i32 = arith.constant 0 : i32
    %c0_i32_0 = arith.constant 0 : i32
    %c0_i32_1 = arith.constant 0 : i32
    return %arg0, %c0_i32, %c0_i32_0 : i32, i32, i32
  }
  func.func @transform_10(%arg0: i32) -> (i32, i32, i32) {
    %c0_i32 = arith.constant 0 : i32
    %c0_i32_0 = arith.constant 0 : i32
    %c0_i32_1 = arith.constant 0 : i32
    return %arg0, %c0_i32, %c0_i32_0 : i32, i32, i32
  }
  func.func @transform_11(%arg0: i32) -> (i32, i32) {
    %c0_i32 = arith.constant 0 : i32
    %c0_i32_0 = arith.constant 0 : i32
    %c0_i32_1 = arith.constant 0 : i32
    return %c0_i32, %c0_i32_0 : i32, i32
  }
}

module attributes {stable_mosaic.version = 14 : i64} {
  func.func @_logits_kernel(%arg0: memref<128x1024xf32, #tpu.memory_space<vmem>>, %arg1: memref<16x1024xf32, #tpu.memory_space<vmem>>, %arg2: memref<1x16xf32, #tpu.memory_space<vmem>>, %arg3: memref<128x16xf32, #tpu.memory_space<vmem>>) attributes {dimension_semantics = [], scalar_prefetch = 0 : i64, scratch_operands = 0 : i64, tpu.core_type = #tpu.core_type<tc>} {
    %get3A = arith.constant 0 : index
    %get3A_0 = arith.constant 0 : index
    %get3A_1 = vector.load %arg0[%get3A, %get3A_0] : memref<128x1024xf32, #tpu.memory_space<vmem>>, vector<128x1024xf32>
    %get3A_2 = arith.constant 0 : index
    %get3A_3 = arith.constant 0 : index
    %get3A_4 = vector.load %arg1[%get3A_2, %get3A_3] : memref<16x1024xf32, #tpu.memory_space<vmem>>, vector<16x1024xf32>
    %dot_general3A = arith.constant dense<0.000000e+00> : vector<128x16xf32>
    %dot_general3A_5 = tpu.matmul %get3A_1, %get3A_4, %dot_general3A {dimension_numbers = #tpu.dot_dimension_numbers<[1], [1], [0], [0], [0, 0, 1, 0], [], []>, transpose_lhs_hint = false} : vector<128x1024xf32>, vector<16x1024xf32>, vector<128x16xf32> -> vector<128x16xf32>
    %get3A_6 = arith.constant 0 : index
    %get3A_7 = arith.constant 0 : index
    %get3A_8 = vector.load %arg2[%get3A_6, %get3A_7] : memref<1x16xf32, #tpu.memory_space<vmem>>, vector<1x16xf32>
    %add3A = vector.broadcast %get3A_8 : vector<1x16xf32> to vector<128x16xf32>
    %add3A_9 = arith.addf %dot_general3A_5, %add3A : vector<128x16xf32>
    %swap3A = arith.constant 0 : index
    %swap3A_10 = arith.constant 0 : index
    %swap3A_11 = vector.load %arg3[%swap3A, %swap3A_10] : memref<128x16xf32, #tpu.memory_space<vmem>>, vector<128x16xf32>
    tpu.vector_store %arg3[%swap3A, %swap3A_10], %add3A_9 {strides = array<i32>} : memref<128x16xf32, #tpu.memory_space<vmem>>, vector<128x16xf32>,
    return
  }
}

</mosaic_0001>

<sc_bundles>
// kernel: kernel.5.cloned.1.call-start
scs
__scs_entry_jumppad:
0x0: {  	(pc) =	sbr.rel $0x88, $3  }
0x1: {  	(tag) =	ssettag $0x0;
	lr =	simm.s32 $0x1  }
0x2: {  	[smem:$0x3F98] =	sst lr;
	_ =	strace $0xD0000000  }
0x3: {  	_ = 	snop  }
0x4: {  	_ = 	snop  }
0x5: {  	_ = 	snop  }
0x6: {  	_ = 	snop  }
0x7: {  	_ = 	snop  }
__scs_overlays_trampoline_lowered:
0x8: {  	[smem:$0x3FA7] =	sst s0  }
0x9: {  	[smem:$0x3FA8] =	sst s1  }
0xa: {  	[smem:$0x3FA9] =	sst s2  }
0xb: {  	[smem:$0x3FAA] =	sst s3  }
0xc: {  	[smem:$0x3FAB] =	sst s4  }
0xd: {  	[smem:$0x3FAC] =	sst s5  }
0xe: {  	[smem:$0x3FAD] =	sst s6  }
0xf: {  	[smem:$0x3FAE] =	sst s7  }
0x10: {  	[smem:$0x3FAF] =	sst s8  }
0x11: {  	[smem:$0x3FB0] =	sst s9;
	s0 =	simm.s32 @!p0 $0x0  }
0x12: {  	s1 =	sld [smem:$0x3F96];
	s0 =	simm.s32 @p0 $0x1  }
0x13: {  	[smem:$0x3FB1] =	sst s0;
	s0 =	simm.s32 @!p1 $0x0  }
0x14: {  	s2 =	sld [smem:$0x3F95];
	s0 =	simm.s32 @p1 $0x1  }
0x15: {  	[smem:$0x3FB2] =	sst s0;
	s0 =	simm.s32 @!p2 $0x0  }
0x16: {  	s3 =	sld [smem:$0x3FDB];
	s0 =	simm.s32 @p2 $0x1  }
0x17: {  	s4 =	simm.s32 $0x1BF5;
	[smem:$0x3FB4] =	sst s0  }
0x18: {  	s0 =	sld [smem:$0x3F97];
	_ =	swait.ge [sflag:s4], $0x0  }
0x19: {  	s7 =	sld [smem:$0x3F98]  }
0x1a: {  	s8 =	sadd.s32 $0xFFFFE003, lr  }
0x1b: {  	s9 =	sadd.s32 $0xFFFFFEF7, lr;
	s5 =	simm.s32 $0xFFFFFFFF;
	p2 =	slt.u32 s8, $0xFFFFF086  }
0x1c: {  	p1 =	slt.u32 s9, $0xF7A;
	s5 =	simm.s32 @!p2 $0x0  }
0x1d: {  	s5 =	simm.s32 @p1 $0x1;
	p0 =	seq.s32 s7, s2  }
0x1e: {  	s7 =	smul.u32 @!p0 $0xF7A, s2;
	p2 =	seq.s32 @!p0 s5, $0x0  }
0x1f: {  	s9 =	smul.u32 $0xF7A, s1;
	s8 =	simm.s32 @!p0 $0x1BF5;
	p2 =	por !p2, p0  }
0x20: {  	[sflag:s8] =	ssyncset.s32 @!p0 $0xFFFFF086;
	s6 =	sadd.s32 @!p0 s3, s7;
	s7 =	simm.s32 @!p0 $0x108  }
0x21: {  	s3 =	sadd.s32 s3, s9;
	s6 =	sadd.s32 @!p0 $0x88, s6;
	s7 =	simm.s32 @p2 $0x1082  }
0x22: {  	[simem:s7], [sflag:s8] =	dma.local @!p0 [hbm:s6], $0xF7A  }
0x23: {  	s9 =	sor.u32 $0xD0000000, s2;
	s6 =	simm.s32 $0x108;
	_ =	swait.ge @!p0 [sflag:s8], $0x0  }
0x24: {  	s3 =	sadd.s32 $0x88, s3;
	s6 =	simm.s32 @!p1 $0x1082;
	[sflag:s4] =	ssyncset.s32 $0xFFFFF086  }
0x25: {  	[simem:s6], [sflag:s4] =	dma.local [hbm:s3], $0xF7A  }
0x26: {  	[smem:$0x3F98] =	sst s1;
	(tag) =	ssettag s2;
	_ =	strace s9  }
0x27: {  	s1 =	sld [smem:$0x3FA8]  }
0x28: {  	s2 =	sld [smem:$0x3FA9]  }
0x29: {  	s4 =	sld [smem:$0x3FAB]  }
0x2a: {  	p0 =	seq.s32 s5, $0x0;
	s5 =	sld [smem:$0x3FAC]  }
0x2b: {  	s6 =	sld [smem:$0x3FAD]  }
0x2c: {  	s7 =	sld [smem:$0x3FAE]  }
0x2d: {  	s3 =	simm.s32 $0x108;
	s8 =	sld [smem:$0x3FAF]  }
0x2e: {  	s3 =	simm.s32 @!p0 $0x1082;
	s9 =	sld [smem:$0x3FB0]  }
0x2f: {  	lr =	sadd.s32 s0, s3;
	s0 =	sld [smem:$0x3FA7]  }
0x30: {  	s3 =	sld [smem:$0x3FAA]  }
0x31: {  	[smem:$0x3FB3] =	sst s10  }
0x32: {  	s10 =	sld [smem:$0x3FB1];
	_ =	sdelay $0x3  }
0x33: {  	p0 =	seq.s32 s10, $0x1;
	s10 =	sld [smem:$0x3FB3];
	_ =	sdelay $0x3  }
0x34: {  	[smem:$0x3FB3] =	sst s10  }
0x35: {  	s10 =	sld [smem:$0x3FB2];
	_ =	sdelay $0x3  }
0x36: {  	p1 =	seq.s32 s10, $0x1;
	s10 =	sld [smem:$0x3FB3];
	_ =	sdelay $0x3  }
0x37: {  	[smem:$0x3FB3] =	sst s10  }
0x38: {  	s10 =	sld [smem:$0x3FB4]  }
0x39: {  	_ = 	snop;
	(pc) =	sbr.ind lr, $3  }
0x3a: {  	_ = 	snop  }
0x3b: {  	_ = 	snop  }
0x3c: {  	p2 =	seq.s32 s10, $0x1;
	s10 =	sld [smem:$0x3FB3]  }
0x3d: {  	_ =	shalt  }
0x3e: {  	_ =	shalt  }
0x3f: {  	_ =	shalt  }
0x40: {  	_ =	shalt  }
0x41: {  	_ =	shalt  }
0x42: {  	_ =	shalt  }
0x43: {  	_ =	shalt  }
0x44: {  	_ =	shalt  }
0x45: {  	_ =	shalt  }
0x46: {  	_ =	shalt  }
0x47: {  	_ =	shalt  }
0x48: {  	_ =	shalt  }
0x49: {  	_ =	shalt  }
0x4a: {  	_ =	shalt  }
0x4b: {  	_ =	shalt  }
0x4c: {  	_ =	shalt  }
0x4d: {  	_ =	shalt  }
0x4e: {  	_ =	shalt  }
0x4f: {  	_ =	shalt  }
0x50: {  	_ =	shalt  }
0x51: {  	_ =	shalt  }
0x52: {  	_ =	shalt  }
0x53: {  	_ =	shalt  }
0x54: {  	_ =	shalt  }
0x55: {  	_ =	shalt  }
0x56: {  	_ =	shalt  }
0x57: {  	_ =	shalt  }
0x58: {  	_ =	shalt  }
0x59: {  	_ =	shalt  }
0x5a: {  	_ =	shalt  }
0x5b: {  	_ =	shalt  }
0x5c: {  	_ =	shalt  }
0x5d: {  	_ =	shalt  }
0x5e: {  	_ =	shalt  }
0x5f: {  	_ =	shalt  }
0x60: {  	_ =	shalt  }
0x61: {  	_ =	shalt  }
0x62: {  	_ =	shalt  }
0x63: {  	_ =	shalt  }
0x64: {  	_ =	shalt  }
0x65: {  	_ =	shalt  }
0x66: {  	_ =	shalt  }
0x67: {  	_ =	shalt  }
0x68: {  	_ =	shalt  }
0x69: {  	_ =	shalt  }
0x6a: {  	_ =	shalt  }
0x6b: {  	_ =	shalt  }
0x6c: {  	_ =	shalt  }
0x6d: {  	_ =	shalt  }
0x6e: {  	_ =	shalt  }
0x6f: {  	_ =	shalt  }
0x70: {  	_ =	shalt  }
0x71: {  	_ =	shalt  }
0x72: {  	_ =	shalt  }
0x73: {  	_ =	shalt  }
0x74: {  	_ =	shalt  }
0x75: {  	_ =	shalt  }
0x76: {  	_ =	shalt  }
0x77: {  	_ =	shalt  }
0x78: {  	_ =	shalt  }
0x79: {  	_ =	shalt  }
0x7a: {  	_ =	shalt  }
0x7b: {  	_ =	shalt  }
0x7c: {  	_ =	shalt  }
0x7d: {  	_ =	shalt  }
0x7e: {  	_ =	shalt  }
0x7f: {  	_ =	shalt  }
0x80: {  	_ =	shalt  }
0x81: {  	_ =	shalt  }
0x82: {  	_ =	shalt  }
0x83: {  	_ =	shalt  }
0x84: {  	_ =	shalt  }
0x85: {  	_ =	shalt  }
0x86: {  	_ =	shalt  }
0x87: {  	_ =	shalt  }
.Lfunc_end0:
.L_simem_size_0:
called_computation_lowered:
.L_overlay_start_0:
0x88: {  	s2 =	sld [smem:$0x3FD9]  }
0x89: {  	s3 =	sld [smem:$0x3FFE];
	_ =	sdelay $0x1  }
0x8a: {  	s1 =	srdreg.scid  }
0x8b: {  	s0 =	sand.u32 $0x1, s1  }
0x8c: {  	s16 =	sshll.u32 s0, $0xA;
	s2 =	sadd.s32 s3, s2  }
0x8d: {  	s2 =	sadd.s32 s2, s16  }
0x8e: {  	[smem:$0x3FBF] =	sst s2  }
0x8f: {  	_ = 	snop  }
0x90: {  	(tm) =	ssettm $0x1  }
0x91: {  	s17 =	sld [smem:$0x3FFB];
	_ =	sdelay $0x3  }
0x92: {  	_ =	strace s17  }
0x93: {  	s2 =	sld [smem:$0x3FFC];
	_ =	sdelay $0x3  }
0x94: {  	_ =	strace s2  }
0x95: {  	s2 =	sld [smem:$0x3FFD];
	_ =	sdelay $0x3  }
0x96: {  	_ =	strace s2  }
0x97: {  	_ =	strace $0x8FFFFFFF  }
0x98: {  	s18 =	sld [smem:$0x3FDB];
	_ =	sdelay $0x1  }
0x99: {  	s19 =	simm.s32 $_scs_section_size  }
0x9a: {  	s4 =	simm.s32 $_size__tile_overlayer_lowered;
	s5 =	simm.s32 $_tile_overlayer_lowered  }
0x9b: {  	s22 =	simm.s32 $0x1BFF;
	s21 =	sshll.u32 s5, $0x1;
	s2 =	sadd.s32 s19, s18  }
0x9c: {  	s6 =	simm.s32 $0x0;
	s20 =	sshll.u32 s4, $0x1;
	s4 =	sadd.s32 s21, s2  }
0x9d: {  	[timem:s6], [sflag:s22] =	dma.local [hbm:s4], s20  }
0x9e: {  	_ =	swait.ge [sflag:s22], s20  }
0x9f: {  	s3 =	ssub.s32 $0x0, s20;
	[sflag:s22] =	ssyncset.done $0x0  }
0xa0: {  	[sflag:s22] =	ssyncadd.s32 s3;
	_ =	sdelay $0x1  }
0xa1: {  	s23 =	simm.s32 $0x1B8B  }
0xa2: {  	_ =	swait.ge [sflag:s23], $0x1  }
0xa3: {  	[sflag:s23] =	ssyncset.done $0x0  }
0xa4: {  	s25 =	simm.s32 $0x1B8E;
	s24 =	sld [smem:$0x3FFE];
	[sflag:s23] =	ssyncadd.s32 $0xFFFFFFFF  }
0xa5: {  	s26 =	simm.s32 $execute0_lowered;
	[smem:$0x3FD2] =	sst s25  }
0xa6: {  	s4 =	sshll.u32 s26, $0x1;
	_ =	strace $0x80000046;
	[dreg:$0x1] =	wrdreg $0xFFFFFFFF  }
0xa7: {  	s28 =	simm.s32 $_size_execute0_lowered;
	s2 =	sadd.s32 s2, s4;
	[dreg:$0x0] =	wrdreg $0x0  }
0xa8: {  	s4 =	sshll.u32 s28, $0x1;
	[dreg:$0x2] =	wrdreg s2  }
0xa9: {  	[dreg:$0x3] =	wrdreg s4  }
0xaa: {  	[dreg:$0x4] =	wrdreg $0xC0  }
0xab: {  	_ =	task [dreg:s6], $0x5FFFF  }
0xac: {  	[dreg:$0x1] =	wrdreg $0xFFFFFFFF  }
0xad: {  	[dreg:$0x0] =	wrdreg $0x60  }
0xae: {  	[dreg:$0x2] =	wrdreg s24  }
0xaf: {  	[dreg:$0x3] =	wrdreg $0x9  }
0xb0: {  	_ =	task.clear_ibuf [dreg:s6], $0x4FFFF;
	_ =	strace $0x90000046  }
0xb1: {  	s29 =	simm.s32 $0x9;
	_ =	strace $0x80000048  }
0xb2: {  	_ =	swait.ge [sflag:s29], $0x1  }
0xb3: {  	[sflag:s29] =	ssyncadd.s32 $0xFFFFFFFF  }
0xb4: {  	_ =	strace $0x90000048  }
0xb5: {  	_ =	sfence  }
0xb6: {  	s30 =	sld [smem:$0x0];
	_ =	sdelay $0x2  }
0xb7: {  	s31 =	sshll.u32 s1, $0xD;
	s1 =	sshrl.u32 s1, $0x2  }
0xb8: {  	s3 =	sand.u32 $0x4000, s31;
	s1 =	sadd.s32 s1, s30  }
0xb9: {  	s0 =	sor.u32 s3, s0;
	s1 =	sshll.u32 s1, $0x11  }
0xba: {  	s0 =	sor.u32 s1, s0  }
0xbb: {  	s0 =	sadd.s32 $0x8F2B, s0  }
0xbc: {  	[sflag:s0] =	ssyncadd.remote.s32 $0x1  }
0xbd: {  	_ =	sfence.sel $0xFFFF  }
0xbe: {  	[dreg:$0x0] =	wrdreg $0xFFFFFFFF;
	(pc) =	sbr.abs _section_cstart, $3  }
0xbf: {  	[dreg:$0x1] =	wrdreg $0xFFFFFFFF  }
0xc0: {  	_ =	task.clear_ibuf [dreg:s6], $0x2FFFF;
	_ =	strace $0x9FFFFFFF  }
0xc1: {  	(tm) =	ssettm $0x7FFFFFFF  }
tec
execute0_lowered:
.L_overlay_start_1:
0x0: {  	(tag) =	ssettag $0x1  }
0x1: {  	s1 =	srdreg.scid  }
0x2: {  	s0 =	stileid.u32;
	s6 =	sand.u32 $0x1, s1  }
0x3: {  	s3 =	rddreg [dreg:$0x0];
	s5 =	sshll.u32 s0, $0x6;
	s4 =	sshll.u32 s6, $0xA  }
0x4: {  	s2 =	simm.s32 $0x0;
	s1 =	rddreg [dreg:$0x1];
	s4 =	sor.u32 s5, s4  }
0x5: {  	[smem:$0x7FF] =	sst s2;
	s5 =	sadd.s32 s4, s3  }
0x6: {  	_ =	strace $0x80000047;
	s3 =	simm.s32 $0x1;
	s4 =	sadd.s32 $0xC00, s5  }
0x7: {  	v0 =	vimm.s32 $0x76543210;
	[tilespmem:s2], [sflag:$0x1] =	stream.linear.gather [hbm4b:s4+s2], $0x200, $0x38;
	[tilespmem:$0x200] =	vst v63  }
0x8: {  	v1 =	vimm.s32 $0xFEDCBA98;
	v2 =	vimm.s32 $0xBA98FEDC;
	_ =	swait.ge [sflag:s3], $0x200  }
0x9: {  	v3 =	vimm.s32 $0x32107654;
	v4 =	vimm.s32 $0xDCFE98BA;
	v5 =	vimm.s32 $0x54761032;
	[sflag:s3] =	ssyncset.done $0x0  }
0xa: {  	v1 =	vunpack.c.l.s4.s8 v1;
	v2 =	vunpack.c.l.s4.s8 v2;
	v3 =	vunpack.c.l.s4.s8 v3;
	[sflag:s3] =	ssyncadd.s32 $0xFFFFFE00  }
0xb: {  	v0 =	vunpack.c.l.s4.s8 v0;
	v4 =	vunpack.c.l.s4.s8 v4;
	v5 =	vunpack.c.l.s4.s8 v5;
	v6 =	vld [tilespmem:$0x180]  }
0xc: {  	v1 =	vunpack.c.0.s8.s32 v1;
	v2 =	vunpack.c.0.s8.s32 v2;
	v3 =	vunpack.c.0.s8.s32 v3;
	v7 =	vld [tilespmem:$0x100]  }
0xd: {  	v0 =	vunpack.c.0.s8.s32 v0;
	v4 =	vunpack.c.0.s8.s32 v4;
	v5 =	vunpack.c.0.s8.s32 v5;
	v8 =	vld [tilespmem:$0x80]  }
0xe: {  	v1 =	vand.u32 $0xF, v1;
	v2 =	vcombine.low v3, v2;
	v9 =	vld [tilespmem:$0x0]  }
0xf: {  	v3 =	vcombine.low v5, v4;
	v4 =	vimm.s32 $0xEFCDAB89;
	v0 =	vcombine.low v1, v0  }
0x10: {  	v5 =	vimm.s32 $0x67452301;
	v4 =	vunpack.c.l.s4.s8 v4;
	v1 =	vand.u32 $0xF, v2  }
0x11: {  	v2 =	vand.u32 $0xF, v3;
	v3 =	vunpack.c.l.s4.s8 v5;
	v5 =	vperm.xlane v7, v0  }
0x12: {  	v4 =	vunpack.c.0.s8.s32 v4;
	v10 =	vperm.xlane v6, v0;
	v11 =	vperm.xlane v8, v0  }
0x13: {  	v3 =	vunpack.c.0.s8.s32 v3;
	v12 =	vperm.xlane v9, v0;
	v5 =	vmax.f32 v7, v5  }
0x14: {  	v10 =	vmax.f32 v6, v10;
	v11 =	vmax.f32 v8, v11;
	v13 =	vperm.xlane v5, v1  }
0x15: {  	v12 =	vmax.f32 v9, v12;
	v14 =	vperm.xlane v10, v1;
	v15 =	vperm.xlane v11, v1  }
0x16: {  	v3 =	vcombine.low v3, v4;
	v4 =	vperm.xlane v12, v1;
	v5 =	vmax.f32 v5, v13  }
0x17: {  	v10 =	vmax.f32 v10, v14;
	v11 =	vmax.f32 v11, v15;
	v13 =	vperm.xlane v5, v2  }
0x18: {  	v4 =	vmax.f32 v12, v4;
	v14 =	vperm.xlane v10, v2;
	v23 =	vperm.xlane v11, v2  }
0x19: {  	v3 =	vand.u32 $0xF, v3;
	v24 =	vperm.xlane v4, v2;
	v5 =	vmax.f32 v5, v13  }
0x1a: {  	v10 =	vmax.f32 v10, v14;
	v11 =	vmax.f32 v11, v23;
	v25 =	vperm.xlane v5, v3  }
0x1b: {  	v27 =	vmax.f32 v4, v24;
	v26 =	vperm.xlane v10, v3;
	v28 =	vperm.xlane v11, v3  }
0x1c: {  	v4 =	vlaneseq.u32;
	v16 =	vperm.xlane v27, v3;
	v5 =	vmax.f32 v5, v25  }
0x1d: {  	v10 =	vmax.f32 v10, v26;
	v11 =	vmax.f32 v11, v28;
	vm0 =	veq.f32 v7, v5  }
0x1e: {  	v29 =	vmax.f32 v27, v16;
	vm1 =	veq.f32 v8, v11;
	v30 =	vnsel vm0, $0x10, v4  }
0x1f: {  	vm0 =	veq.f32 v9, v29;
	v31 =	vnsel vm1, $0x10, v4;
	v32 =	vperm.xlane v30, v0  }
0x20: {  	vm1 =	veq.f32 v6, v10;
	v33 =	vnsel vm0, $0x10, v4;
	v17 =	vperm.xlane v31, v0  }
0x21: {  	v18 =	vnsel vm1, $0x10, v4;
	v19 =	vperm.xlane v33, v0;
	vm0 =	vlt.s32 v30, v32  }
0x22: {  	v20 =	vperm.xlane v18, v0;
	vm1 =	vlt.s32 v31, v17;
	v13 =	vsel vm0, v30, v32  }
0x23: {  	vm0 =	vlt.s32 v33, v19;
	v14 =	vsel vm1, v31, v17;
	v15 =	vperm.xlane v13, v1  }
0x24: {  	vm1 =	vlt.s32 v18, v20;
	v16 =	vsel vm0, v33, v19;
	v17 =	vperm.xlane v14, v1  }
0x25: {  	v18 =	vsel vm1, v18, v20;
	v19 =	vperm.xlane v16, v1;
	vm0 =	vlt.s32 v13, v15  }
0x26: {  	v20 =	vperm.xlane v18, v1;
	vm1 =	vlt.s32 v14, v17;
	v13 =	vsel vm0, v13, v15  }
0x27: {  	vm0 =	vlt.s32 v16, v19;
	v14 =	vsel vm1, v14, v17;
	v15 =	vperm.xlane v13, v2  }
0x28: {  	v16 =	vsel vm0, v16, v19;
	v17 =	vperm.xlane v14, v2;
	vm0 =	vlt.s32 v18, v20  }
0x29: {  	v19 =	vperm.xlane v16, v2;
	v18 =	vsel vm0, v18, v20  }
0x2a: {  	vm1 =	vlt.s32 v13, v15;
	vm0 =	vlt.s32 v14, v17;
	v34 =	vperm.xlane v18, v2  }
0x2b: {  	v13 =	vsel vm1, v13, v15;
	vm1 =	vlt.s32 v16, v19;
	v14 =	vsel vm0, v14, v17  }
0x2c: {  	v35 =	vperm.xlane v13, v3;
	v16 =	vsel vm1, v16, v19;
	v36 =	vperm.xlane v14, v3  }
0x2d: {  	vm0 =	vlt.s32 v18, v34;
	v37 =	vperm.xlane v16, v3  }
0x2e: {  	v15 =	vsel vm0, v18, v34;
	vm1 =	vlt.s32 v13, v35;
	vm0 =	vlt.s32 v14, v36  }
0x2f: {  	v38 =	vperm.xlane v15, v3;
	v13 =	vsel vm1, v13, v35;
	vm1 =	vlt.s32 v16, v37  }
0x30: {  	v14 =	vsel vm0, v14, v36;
	vm0 =	veq.s32 v13, v4;
	v39 =	vsel vm1, v16, v37  }
0x31: {  	vm2 =	veq.s32 v14, v4;
	vm1 =	vlt.s32 v15, v38;
	vm3 =	veq.s32 v39, v4  }
0x32: {  	v8 =	vsel vm2, $0xF149F2CA, v8;
	v40 =	vsel vm1, v15, v38;
	v7 =	vsel vm0, $0xF149F2CA, v7  }
0x33: {  	v9 =	vsel vm3, $0xF149F2CA, v9;
	v41 =	vperm.xlane v8, v0;
	vm1 =	veq.s32 v40, v4  }
0x34: {  	v43 =	vperm.xlane v7, v0;
	v42 =	vperm.xlane v9, v0;
	v6 =	vsel vm1, $0xF149F2CA, v6  }
0x35: {  	v14 =	vmax.f32 v8, v41;
	v44 =	vperm.xlane v6, v0  }
0x36: {  	v15 =	vmax.f32 v7, v43;
	v13 =	vmax.f32 v9, v42;
	v45 =	vperm.xlane v14, v1  }
0x37: {  	v47 =	vperm.xlane v15, v1;
	v46 =	vperm.xlane v13, v1;
	v16 =	vmax.f32 v6, v44  }
0x38: {  	v14 =	vmax.f32 v14, v45;
	v48 =	vperm.xlane v16, v1  }
0x39: {  	v15 =	vmax.f32 v15, v47;
	v13 =	vmax.f32 v13, v46;
	v49 =	vperm.xlane v14, v2  }
0x3a: {  	v51 =	vperm.xlane v15, v2;
	v50 =	vperm.xlane v13, v2;
	v16 =	vmax.f32 v16, v48  }
0x3b: {  	v14 =	vmax.f32 v14, v49;
	v52 =	vperm.xlane v16, v2  }
0x3c: {  	v15 =	vmax.f32 v15, v51;
	v13 =	vmax.f32 v13, v50;
	v53 =	vperm.xlane v14, v3  }
0x3d: {  	v17 =	vperm.xlane v15, v3;
	v20 =	vperm.xlane v13, v3;
	v16 =	vmax.f32 v16, v52  }
0x3e: {  	v14 =	vmax.f32 v14, v53;
	v18 =	vperm.xlane v16, v3  }
0x3f: {  	v15 =	vmax.f32 v15, v17;
	v13 =	vmax.f32 v13, v20;
	v11 =	vsub.f32 v14, v11  }
0x40: {  	v5 =	vsub.f32 v15, v5;
	v12 =	vsub.f32 v13, v29;
	v16 =	vmax.f32 v16, v18  }
0x41: {  	vm5 =	veq.f32 v7, v15;
	v11 =	vmul.f32 $1.442695020e+00, v11;
	v10 =	vsub.f32 v16, v10  }
0x42: {  	vm4 =	veq.f32 v9, v13;
	v5 =	vmul.f32 $1.442695020e+00, v5;
	v12 =	vmul.f32 $1.442695020e+00, v12  }
0x43: {  	v7 =	vnsel vm4, $0x10, v4;
	vm4 =	veq.f32 v6, v16;
	v9 =	vmul.f32 $1.442695020e+00, v10  }
0x44: {  	v6 =	vnsel vm5, $0x10, v4;
	v10 =	vperm.xlane v7, v0;
	(erf) = vpow2.f32 v12  }
0x45: {  	vm5 =	veq.f32 v8, v14;
	(erf) = vpow2.f32 v11;
	v11 =	vnsel vm4, $0x10, v4  }
0x46: {  	vm4 =	vlt.s32 v7, v10;
	(erf) = vpow2.f32 v9;
	v9 =	vperm.xlane v11, v0  }
0x47: {  	(erf) = vpow2.f32 v5;
	v5 =	vsel vm4, v7, v10;
	v7 =	vperm.xlane v6, v0  }
0x48: {  	v10 =	vnsel vm5, $0x10, v4;
	v8 =	vperm.xlane v5, v1;
	vm4 =	vlt.s32 v11, v9  }
0x49: {  	v54 =	vperm.xlane v10, v0;
	vm5 =	vlt.s32 v6, v7;
	v9 =	vsel vm4, v11, v9  }
0x4a: {  	vm4 =	vlt.s32 v5, v8;
	v6 =	vsel vm5, v6, v7;
	v7 =	vperm.xlane v9, v1  }
0x4b: {  	v5 =	vsel vm4, v5, v8;
	vm4 =	vlt.s32 v10, v54;
	v8 =	vperm.xlane v6, v1  }
0x4c: {  	v11 =	vperm.xlane v5, v2;
	v10 =	vsel vm4, v10, v54  }
0x4d: {  	vm4 =	vlt.s32 v9, v7;
	v55 =	vpop (erf);
	v56 =	vperm.xlane v10, v1;
	vm5 =	vlt.s32 v6, v8  }
0x4e: {  	v7 =	vsel vm4, v9, v7;
	v12 =	vadd.f32 $1.000000000e+00, v55;
	v57 =	vpop (erf);
	v6 =	vsel vm5, v6, v8  }
0x4f: {  	vm4 =	vlt.s32 v5, v11;
	v9 =	vadd.f32 $1.000000000e+00, v57;
	v60 =	vperm.xlane v6, v2  }
0x50: {  	v58 =	vpop (erf);
	v5 =	vsel vm4, v5, v11;
	vm4 =	vlt.s32 v10, v56;
	(erf) = vrcp.f32 v12  }
0x51: {  	v8 =	vadd.f32 $1.000000000e+00, v58;
	v59 =	vpop (erf);
	(erf) = vrcp.f32 v9;
	v9 =	vperm.xlane v7, v2  }
0x52: {  	v10 =	vsel vm4, v10, v56;
	v12 =	vadd.f32 $1.000000000e+00, v59  }
0x53: {  	vm4 =	vlt.s32 v6, v60;
	(erf) = vrcp.f32 v8;
	vm5 =	vlt.s32 v7, v9  }
0x54: {  	v8 =	vperm.xlane v5, v3;
	(erf) = vrcp.f32 v12;
	v7 =	vsel vm5, v7, v9  }
0x55: {  	v6 =	vsel vm4, v6, v60;
	v9 =	vperm.xlane v10, v2;
	v11 =	vperm.xlane v7, v3  }
0x56: {  	v61 =	vperm.xlane v6, v3;
	vm4 =	vlt.s32 v5, v8  }
0x57: {  	s6 =	ssub.s32 $0x2, s6;
	v8 =	vsel vm4, v5, v8;
	vm4 =	vlt.s32 v10, v9;
	vm5 =	vlt.s32 v7, v11  }
0x58: {  	s7 =	sshrl.u32 s6, $0x1;
	v9 =	vsel vm4, v10, v9;
	v7 =	vsel vm5, v7, v11  }
0x59: {  	s6 =	ssub.s32 s6, s7;
	vm4 =	vlt.s32 v6, v61;
	v10 =	vperm.xlane v9, v3  }
0x5a: {  	s6 =	smax.u32 s6, $0x1;
	v11 =	vsel vm4, v6, v61;
	v5 =	vpop (erf)  }
0x5b: {  	p0 =	sne.s32 s6, $0x1;
	vm4 =	veq.s32 v7, v4;
	v6 =	vsub.f32 $1.000000000e+00, v5;
	vm5 =	vlt.s32 v9, v10;
	v7 =	vpop (erf)  }
.Ltmp0:
0x5c: {  	v5 =	vnsel vm3, $0x0, v5;
	vm3 =	veq.s32 v8, v4;
	v9 =	vsel vm5, v9, v10;
	v62 =	vpop (erf);
	(pc) =	sbr.rel @!p0 .LBB2_2-.Ltmp0, $4  }
0x5d: {  	v8 =	vnsel vm2, $0x0, v7;
	v10 =	vsub.f32 $1.000000000e+00, v7;
	v63 =	vsub.f32 $1.000000000e+00, v62;
	v7 =	vpop (erf)  }
0x5e: {  	vm2 =	veq.s32 v9, v4;
	v12 =	vnsel vm1, $0x0, v62;
	v9 =	vsub.f32 $1.000000000e+00, v7  }
0x5f: {  	vm1 =	veq.s32 v11, v4;
	v10 =	vnsel vm2, $0x0, v10;
	v11 =	vnsel vm4, $0x0, v63  }
0x60: {  	s5 =	sadd.s32 $0x1400, s5;
	s6 =	sadd.s32 $0xFFFFFFFF, s6;
	v10 =	vadd.f32 v10, v8;
	v8 =	vnsel vm1, $0x0, v9;
	v9 =	vadd.f32 v11, v12  }
.LBB2_1:
0x61: {  	p0 =	sne.s32 s6, $0x1;
	s6 =	sadd.s32 $0xFFFFFFFF, s6;
	v6 =	vnsel vm3, $0x0, v6;
	v7 =	vnsel vm0, $0x0, v7  }
0x62: {  	v5 =	vadd.f32 v6, v5;
	[tilespmem:$0x80] =	vst v10  }
0x63: {  	v6 =	vadd.f32 v8, v7;
	[tilespmem:$0x180] =	vst v9  }
0x64: {  	[tilespmem:$0x0] =	vst v5  }
0x65: {  	[tilespmem:$0x100] =	vst v6  }
0x66: {  	[hbm4b:s5+s2] =	stream.linear.scatter [tilespmem:s2], [sflag:$0x1], $0x200, $0x38;
	[tilespmem:$0x200] =	vst v63  }
0x67: {  	_ =	swait.ge [sflag:s3], $0x200  }
0x68: {  	[sflag:s3] =	ssyncset.done $0x0  }
0x69: {  	[sflag:s3] =	ssyncadd.s32 $0xFFFFFE00  }
0x6a: {  	[tilespmem:s2], [sflag:$0x1] =	stream.linear.gather [hbm4b:s4+s2], $0x200, $0x38;
	[tilespmem:$0x200] =	vst v63  }
0x6b: {  	_ =	swait.ge [sflag:s3], $0x200  }
0x6c: {  	[sflag:s3] =	ssyncset.done $0x0  }
0x6d: {  	[sflag:s3] =	ssyncadd.s32 $0xFFFFFE00  }
0x6e: {  	v6 =	vld [tilespmem:$0x180]  }
0x6f: {  	v8 =	vld [tilespmem:$0x100]  }
0x70: {  	v11 =	vld [tilespmem:$0x80]  }
0x71: {  	v9 =	vld [tilespmem:$0x0];
	_ =	sdelay $0x1  }
0x72: {  	v5 =	vperm.xlane v6, v0  }
0x73: {  	v7 =	vperm.xlane v8, v0  }
0x74: {  	v10 =	vperm.xlane v11, v0;
	v5 =	vmax.f32 v6, v5  }
0x75: {  	v12 =	vperm.xlane v9, v0;
	v7 =	vmax.f32 v8, v7;
	v13 =	vperm.xlane v5, v1  }
0x76: {  	v10 =	vmax.f32 v11, v10;
	v14 =	vperm.xlane v7, v1  }
0x77: {  	v12 =	vmax.f32 v9, v12;
	v15 =	vperm.xlane v10, v1;
	v5 =	vmax.f32 v5, v13  }
0x78: {  	v13 =	vperm.xlane v12, v1;
	v7 =	vmax.f32 v7, v14;
	v14 =	vperm.xlane v5, v2  }
0x79: {  	v10 =	vmax.f32 v10, v15;
	v15 =	vperm.xlane v7, v2  }
0x7a: {  	v12 =	vmax.f32 v12, v13;
	v13 =	vperm.xlane v10, v2;
	v5 =	vmax.f32 v5, v14  }
0x7b: {  	v14 =	vperm.xlane v12, v2;
	v7 =	vmax.f32 v7, v15;
	v15 =	vperm.xlane v5, v3  }
0x7c: {  	v10 =	vmax.f32 v10, v13;
	v13 =	vperm.xlane v7, v3  }
0x7d: {  	v12 =	vmax.f32 v12, v14;
	v14 =	vperm.xlane v10, v3;
	v5 =	vmax.f32 v5, v15  }
0x7e: {  	v15 =	vperm.xlane v12, v3;
	v7 =	vmax.f32 v7, v13;
	vm0 =	veq.f32 v6, v5  }
0x7f: {  	v10 =	vmax.f32 v10, v14;
	vm1 =	veq.f32 v8, v7;
	v13 =	vnsel vm0, $0x10, v4  }
0x80: {  	v12 =	vmax.f32 v12, v15;
	vm0 =	veq.f32 v11, v10;
	v14 =	vnsel vm1, $0x10, v4  }
0x81: {  	vm1 =	veq.f32 v9, v12;
	v15 =	vnsel vm0, $0x10, v4;
	v16 =	vperm.xlane v14, v0  }
0x82: {  	v19 =	vperm.xlane v13, v0;
	v17 =	vnsel vm1, $0x10, v4;
	v18 =	vperm.xlane v15, v0  }
0x83: {  	v20 =	vperm.xlane v17, v0;
	vm0 =	vlt.s32 v14, v16  }
0x84: {  	vm1 =	vlt.s32 v15, v18;
	v14 =	vsel vm0, v14, v16;
	vm0 =	vlt.s32 v13, v19  }
0x85: {  	vm2 =	vlt.s32 v17, v20;
	v15 =	vsel vm1, v15, v18;
	v16 =	vperm.xlane v14, v1  }
0x86: {  	v13 =	vsel vm0, v13, v19;
	v17 =	vsel vm2, v17, v20;
	v18 =	vperm.xlane v15, v1  }
0x87: {  	v20 =	vperm.xlane v13, v1;
	v19 =	vperm.xlane v17, v1;
	vm0 =	vlt.s32 v14, v16  }
0x88: {  	vm1 =	vlt.s32 v15, v18;
	v14 =	vsel vm0, v14, v16  }
0x89: {  	vm0 =	vlt.s32 v17, v19;
	v15 =	vsel vm1, v15, v18;
	v16 =	vperm.xlane v14, v2  }
0x8a: {  	v17 =	vsel vm0, v17, v19;
	v18 =	vperm.xlane v15, v2;
	vm0 =	vlt.s32 v13, v20  }
0x8b: {  	v19 =	vperm.xlane v17, v2;
	vm1 =	vlt.s32 v14, v16;
	v13 =	vsel vm0, v13, v20  }
0x8c: {  	vm0 =	vlt.s32 v15, v18;
	v14 =	vsel vm1, v14, v16;
	v16 =	vperm.xlane v13, v2  }
0x8d: {  	vm1 =	vlt.s32 v17, v19;
	v15 =	vsel vm0, v15, v18;
	v18 =	vperm.xlane v14, v3  }
0x8e: {  	v17 =	vsel vm1, v17, v19;
	v19 =	vperm.xlane v15, v3;
	vm0 =	vlt.s32 v13, v16  }
0x8f: {  	v20 =	vperm.xlane v17, v3;
	vm1 =	vlt.s32 v14, v18;
	v13 =	vsel vm0, v13, v16  }
0x90: {  	vm0 =	vlt.s32 v15, v19;
	v14 =	vsel vm1, v14, v18;
	v16 =	vperm.xlane v13, v3  }
0x91: {  	vm1 =	vlt.s32 v17, v20;
	v15 =	vsel vm0, v15, v19;
	vm0 =	veq.s32 v14, v4  }
0x92: {  	v14 =	vsel vm1, v17, v20;
	vm2 =	veq.s32 v15, v4;
	vm1 =	vlt.s32 v13, v16  }
0x93: {  	vm3 =	veq.s32 v14, v4;
	v11 =	vsel vm2, $0xF149F2CA, v11;
	v13 =	vsel vm1, v13, v16  }
0x94: {  	v9 =	vsel vm3, $0xF149F2CA, v9;
	v14 =	vperm.xlane v11, v0;
	vm1 =	veq.s32 v13, v4  }
0x95: {  	v8 =	vsel vm0, $0xF149F2CA, v8;
	v13 =	vperm.xlane v9, v0;
	v6 =	vsel vm1, $0xF149F2CA, v6  }
0x96: {  	v15 =	vperm.xlane v8, v0;
	v14 =	vmax.f32 v11, v14;
	v16 =	vperm.xlane v6, v0  }
0x97: {  	v13 =	vmax.f32 v9, v13;
	v17 =	vperm.xlane v14, v1  }
0x98: {  	v15 =	vmax.f32 v8, v15;
	v18 =	vperm.xlane v13, v1;
	v16 =	vmax.f32 v6, v16  }
0x99: {  	v14 =	vmax.f32 v14, v17;
	v17 =	vperm.xlane v15, v1;
	v19 =	vperm.xlane v16, v1  }
0x9a: {  	v13 =	vmax.f32 v13, v18;
	v18 =	vperm.xlane v14, v2  }
0x9b: {  	v20 =	vperm.xlane v13, v2;
	v15 =	vmax.f32 v15, v17;
	v16 =	vmax.f32 v16, v19  }
0x9c: {  	v14 =	vmax.f32 v14, v18;
	v17 =	vperm.xlane v15, v2;
	v18 =	vperm.xlane v16, v2  }
0x9d: {  	v13 =	vmax.f32 v13, v20;
	v19 =	vperm.xlane v14, v3  }
0x9e: {  	v20 =	vperm.xlane v13, v3;
	v15 =	vmax.f32 v15, v17;
	v16 =	vmax.f32 v16, v18  }
0x9f: {  	v14 =	vmax.f32 v14, v19;
	v17 =	vperm.xlane v15, v3;
	v18 =	vperm.xlane v16, v3  }
0xa0: {  	v13 =	vmax.f32 v13, v20;
	vm4 =	veq.f32 v11, v14;
	v10 =	vsub.f32 v14, v10  }
0xa1: {  	v11 =	vsub.f32 v13, v12;
	v12 =	vmax.f32 v15, v17;
	v14 =	vmax.f32 v16, v18  }
0xa2: {  	v10 =	vmul.f32 $1.442695020e+00, v10;
	v7 =	vsub.f32 v12, v7;
	v5 =	vsub.f32 v14, v5  }
0xa3: {  	vm5 =	veq.f32 v9, v13;
	vm6 =	veq.f32 v8, v12;
	v9 =	vmul.f32 $1.442695020e+00, v11  }
0xa4: {  	v8 =	vnsel vm5, $0x10, v4;
	v7 =	vmul.f32 $1.442695020e+00, v7;
	v5 =	vmul.f32 $1.442695020e+00, v5  }
0xa5: {  	vm5 =	veq.f32 v6, v14;
	v11 =	vperm.xlane v8, v0;
	(erf) = vpow2.f32 v9  }
0xa6: {  	v6 =	vnsel vm6, $0x10, v4;
	v9 =	vnsel vm5, $0x10, v4;
	(erf) = vpow2.f32 v10  }
0xa7: {  	vm5 =	vlt.s32 v8, v11;
	v10 =	vperm.xlane v9, v0;
	(erf) = vpow2.f32 v5  }
0xa8: {  	v5 =	vsel vm5, v8, v11;
	v8 =	vperm.xlane v6, v0;
	(erf) = vpow2.f32 v7  }
0xa9: {  	v11 =	vnsel vm4, $0x10, v4;
	v7 =	vperm.xlane v5, v1;
	vm4 =	vlt.s32 v9, v10  }
0xaa: {  	v12 =	vperm.xlane v11, v0;
	vm5 =	vlt.s32 v6, v8;
	v9 =	vsel vm4, v9, v10  }
0xab: {  	vm4 =	vlt.s32 v5, v7;
	v6 =	vsel vm5, v6, v8;
	v8 =	vperm.xlane v9, v1  }
0xac: {  	v5 =	vsel vm4, v5, v7;
	vm4 =	vlt.s32 v11, v12;
	v13 =	vperm.xlane v6, v1  }
0xad: {  	v10 =	vperm.xlane v5, v2;
	v11 =	vsel vm4, v11, v12;
	vm4 =	vlt.s32 v9, v8  }
0xae: {  	v12 =	vperm.xlane v11, v1;
	vm5 =	vlt.s32 v6, v13;
	v8 =	vsel vm4, v9, v8;
	v9 =	vpop (erf)  }
0xaf: {  	vm4 =	vlt.s32 v5, v10;
	v6 =	vsel vm5, v6, v13;
	v15 =	vadd.f32 $1.000000000e+00, v9;
	v7 =	vpop (erf)  }
0xb0: {  	v5 =	vsel vm4, v5, v10;
	v10 =	vperm.xlane v6, v2;
	v7 =	vadd.f32 $1.000000000e+00, v7;
	v13 =	vpop (erf)  }
0xb1: {  	v14 =	vperm.xlane v5, v3;
	v13 =	vadd.f32 $1.000000000e+00, v13;
	(erf) = vrcp.f32 v15;
	v9 =	vpop (erf)  }
0xb2: {  	v15 =	vperm.xlane v8, v2;
	v9 =	vadd.f32 $1.000000000e+00, v9;
	(erf) = vrcp.f32 v7  }
0xb3: {  	vm5 =	vlt.s32 v11, v12;
	vm4 =	vlt.s32 v5, v14;
	(erf) = vrcp.f32 v13  }
0xb4: {  	v7 =	vsel vm4, v5, v14;
	vm4 =	vlt.s32 v8, v15;
	(erf) = vrcp.f32 v9  }
0xb5: {  	v5 =	vsel vm5, v11, v12;
	vm5 =	vlt.s32 v6, v10;
	v8 =	vsel vm4, v8, v15  }
0xb6: {  	v9 =	vperm.xlane v5, v2;
	v6 =	vsel vm5, v6, v10;
	v10 =	vperm.xlane v8, v3  }
0xb7: {  	v11 =	vperm.xlane v6, v3  }
0xb8: {  	vm4 =	vlt.s32 v5, v9;
	vm5 =	vlt.s32 v8, v10  }
0xb9: {  	v9 =	vsel vm4, v5, v9;
	vm4 =	vlt.s32 v6, v11;
	v12 =	vsel vm5, v8, v10  }
0xba: {  	v10 =	vperm.xlane v9, v3;
	v11 =	vsel vm4, v6, v11;
	v5 =	vpop (erf)  }
0xbb: {  	vm4 =	veq.s32 v12, v4;
	v6 =	vsub.f32 $1.000000000e+00, v5;
	v5 =	vnsel vm3, $0x0, v5;
	v8 =	vpop (erf)  }
.Ltmp1:
0xbc: {  	vm5 =	vlt.s32 v9, v10;
	vm3 =	veq.s32 v7, v4;
	v12 =	vnsel vm2, $0x0, v8;
	v13 =	vpop (erf);
	(pc) =	sbr.rel @p0 .LBB2_1-.Ltmp1, $4  }
0xbd: {  	v9 =	vsel vm5, v9, v10;
	v8 =	vsub.f32 $1.000000000e+00, v8;
	v10 =	vsub.f32 $1.000000000e+00, v13;
	v7 =	vpop (erf)  }
0xbe: {  	vm2 =	veq.s32 v9, v4;
	v13 =	vnsel vm1, $0x0, v13;
	v9 =	vsub.f32 $1.000000000e+00, v7  }
0xbf: {  	vm1 =	veq.s32 v11, v4;
	v8 =	vnsel vm2, $0x0, v8;
	v11 =	vnsel vm4, $0x0, v10  }
0xc0: {  	v10 =	vadd.f32 v8, v12;
	v8 =	vnsel vm1, $0x0, v9;
	v9 =	vadd.f32 v11, v13  }
.LBB2_2:
0xc1: {  	v0 =	vnsel vm3, $0x0, v6  }
0xc2: {  	v1 =	vnsel vm0, $0x0, v7;
	v0 =	vadd.f32 v0, v5;
	[tilespmem:$0x80] =	vst v10  }
0xc3: {  	v1 =	vadd.f32 v8, v1;
	[tilespmem:$0x180] =	vst v9  }
0xc4: {  	[tilespmem:$0x0] =	vst v0  }
0xc5: {  	[tilespmem:$0x100] =	vst v1  }
0xc6: {  	[hbm4b:s5+s2] =	stream.linear.scatter [tilespmem:s2], [sflag:$0x1], $0x200, $0x38;
	[tilespmem:$0x200] =	vst v63  }
0xc7: {  	_ =	swait.ge [sflag:s3], $0x200  }
0xc8: {  	[sflag:s3] =	ssyncset.done $0x0  }
0xc9: {  	[sflag:s3] =	ssyncadd.s32 $0xFFFFFE00  }
0xca: {  	_ =	sfence.sel $0x180000  }
0xcb: {  	[bflag:$0x0] =	sbarrier.arrive $0xFFFF  }
0xcc: {  	p0 =	sne.s32 s0, $0x0;
	_ =	strace $0x90000047  }
0xcd: {  	s0 =	sadd.s32 @!p0 $0x100000, s1;
	[bflag:$0x2] =	sbarrier.arrive $0xFFFF  }
0xce: {  	[sflag:s0] =	ssyncadd.tile.s32 @!p0 $0x1;
	_ =	shalt  }
.Lfunc_end2:
_tile_overlayer_lowered:
.L_overlay_start_2:
0xcf: {  	(tag) =	ssettag $0x2  }
0xd0: {  	s0 =	rddreg [dreg:$0x0];
	s2 =	stileid.u32  }
0xd1: {  	s1 =	rddreg [dreg:$0x1];
	p0 =	sne.s32 s2, $0x0  }
0xd2: {  	s3 =	rddreg [dreg:$0x2];
	[bflag:$0x3] =	sbarrier.arrive $0xFFFF;
	s2 =	simm.s32 @!p0 $0x1C02  }
0xd3: {  	[timem:s3], [sflag:s2] =	dma.local @!p0 [hbm:s0], s1  }
0xd4: {  	s0 =	simm.s32 @!p0 $0x2  }
0xd5: {  	_ =	swait.ge @!p0 [sflag:s0], s1  }
0xd6: {  	s1 =	ssub.s32 @!p0 $0x0, s1;
	[sflag:s0] =	ssyncset.done @!p0 $0x0  }
0xd7: {  	[sflag:s0] =	ssyncadd.s32 @!p0 s1  }
0xd8: {  	[bflag:$0x3] =	sbarrier.arrive $0xFFFF  }
0xd9: {  	_ =	shalt  }

</sc_bundles>
